<compile_context>
chip_gen: v7x
topology: tpu7x:2x2x1
jax: 0.10.2.dev20260603
libtpu: 0.0.44.dev20260713+nightly
codegen_flags: <defaults>
</compile_context>

<pallas_src>
import jax
import jax.numpy as jnp
from jax import lax
from jax.experimental import pallas as pl
from jax.experimental.pallas import tpu as pltpu
from jax.experimental.pallas import tpu_sc as plsc

N_NODES = 10000
D_FEAT = 128
N_EDGES = 320000
NUM_CORES = 2
NUM_SUBCORES = 16
NW = NUM_CORES * NUM_SUBCORES
CHUNK = 64
CHUNKS_PER_TILE = 160
GROUP = 8
E_PAD = NW * CHUNKS_PER_TILE * CHUNK
IO_TILES = 10
ROWS_PER_TILE = N_NODES // IO_TILES
ZROWS = 40
LANES = 16


def _sc_scatter(input_hbm, sidx_hbm, tidx_hbm, en_hbm, es_hbm, part_hbm,
                accum_sh, sidx_v, tidx_v, en_v, es_v, rows0_v, rows1_v,
                rows2_v, rows3_v, stage_v, gsem0, gsem1, ssem0, ssem1):
    cid = lax.axis_index("c")
    sid = lax.axis_index("s")
    wid = cid * NUM_SUBCORES + sid

    zeros16 = jnp.zeros((LANES,), jnp.float32)

    @pl.loop(0, ZROWS)
    def _zero_rows(i):
        for j in range(D_FEAT // LANES):
            stage_v[i, pl.ds(j * LANES, LANES)] = zeros16

    row0 = sid * ROWS_PER_TILE

    @pl.when(sid < IO_TILES)
    def _zero_accum():
        @pl.loop(0, ROWS_PER_TILE // ZROWS)
        def _z(k):
            pltpu.sync_copy(stage_v, accum_sh.at[pl.ds(row0 + k * ZROWS, ZROWS)])

    plsc.subcore_barrier()

    rows = [rows0_v, rows1_v, rows2_v, rows3_v]
    gsems = [gsem0, gsem1, ssem0, ssem1]

    def _scale_rows(rows_b, k):
        @pl.loop(0, CHUNK // LANES)
        def _scale(q):
            qsl = pl.ds(q * LANES, LANES)
            wv = en_v[k, qsl] * es_v[k, qsl]
            for ii in range(LANES):
                i = q * LANES + ii
                w = wv[ii]
                for j in range(D_FEAT // LANES):
                    sl = pl.ds(j * LANES, LANES)
                    rows_b[i, sl] = rows_b[i, sl] * w

    @pl.loop(0, CHUNKS_PER_TILE // GROUP)
    def _group(g):
        gsl = pl.ds(g * GROUP, GROUP)
        pltpu.sync_copy(sidx_hbm.at[wid].at[gsl], sidx_v)
        pltpu.sync_copy(tidx_hbm.at[wid].at[gsl], tidx_v)
        pltpu.sync_copy(en_hbm.at[wid].at[gsl], en_v)
        pltpu.sync_copy(es_hbm.at[wid].at[gsl], es_v)

        gat = [None] * GROUP
        for k in range(4):
            gat[k] = pltpu.async_copy(
                input_hbm.at[sidx_v.at[k]], rows[k % 4], gsems[k % 4])
        for k in range(GROUP):
            gat[k].wait()
            if k + 4 < GROUP:
                gat[k + 4] = pltpu.async_copy(
                    input_hbm.at[sidx_v.at[k + 4]], rows[k % 4], gsems[k % 4])

    plsc.subcore_barrier()

    @pl.when(sid < IO_TILES)
    def _writeback():
        @pl.loop(0, ROWS_PER_TILE // ZROWS)
        def _w(k):
            sl = pl.ds(row0 + k * ZROWS, ZROWS)
            pltpu.sync_copy(accum_sh.at[sl], stage_v)
            pltpu.sync_copy(stage_v, part_hbm.at[cid].at[sl])


@jax.jit
def _graph_conv(input, sidx, tidx, en, es):
    mesh = plsc.VectorSubcoreMesh(core_axis_name="c", subcore_axis_name="s")
    partials = pl.kernel(
        _sc_scatter,
        out_type=jax.ShapeDtypeStruct((NUM_CORES, N_NODES, D_FEAT), jnp.float32),
        mesh=mesh,
        scratch_types=[
            pltpu.VMEM_SHARED((N_NODES, D_FEAT), jnp.float32),
            pltpu.VMEM((GROUP, CHUNK), jnp.int32),
            pltpu.VMEM((GROUP, CHUNK), jnp.int32),
            pltpu.VMEM((GROUP, CHUNK), jnp.float32),
            pltpu.VMEM((GROUP, CHUNK), jnp.float32),
            pltpu.VMEM((CHUNK, D_FEAT), jnp.float32),
            pltpu.VMEM((CHUNK, D_FEAT), jnp.float32),
            pltpu.VMEM((CHUNK, D_FEAT), jnp.float32),
            pltpu.VMEM((CHUNK, D_FEAT), jnp.float32),
            pltpu.VMEM((ZROWS, D_FEAT), jnp.float32),
            pltpu.SemaphoreType.DMA,
            pltpu.SemaphoreType.DMA,
            pltpu.SemaphoreType.DMA,
            pltpu.SemaphoreType.DMA,
        ],
    )(input, sidx, tidx, en, es)

    def _combine(p_ref, o_ref):
        o_ref[...] = p_ref[0] + p_ref[1]

    return pl.pallas_call(
        _combine,
        grid=(10,),
        in_specs=[pl.BlockSpec((NUM_CORES, N_NODES // 10, D_FEAT),
                               lambda i: (0, i, 0))],
        out_specs=pl.BlockSpec((N_NODES // 10, D_FEAT), lambda i: (i, 0)),
        out_shape=jax.ShapeDtypeStruct((N_NODES, D_FEAT), jnp.float32),
    )(partials)


def _pad3(x, fill):
    pad = E_PAD - N_EDGES
    x = jnp.concatenate([x, jnp.full((pad,), fill, x.dtype)])
    return x.reshape(NW, CHUNKS_PER_TILE, CHUNK)


def kernel(input, eidx, enorm, esgn):
    eidx = eidx.astype(jnp.int32)
    sidx = _pad3(eidx[0], 0)
    tidx = _pad3(eidx[1], 0)
    en = _pad3(enorm, 0.0)
    es = _pad3(esgn, 0.0)
    return _graph_conv(input, sidx, tidx, en, es)

# --- scband reference (transcript-rebuilt; emitter-appended) ---
"""Pipeline reference for scband-graph-conv-21423296872853 (READ-ONLY COPY).

The authoritative reference and input builder live on the scoring server;
editing this copy changes nothing except your own understanding.
"""

import jax, jax.numpy as jnp
import numpy as np


def setup_inputs(seed: int = 0) -> dict:
    key = jax.random.key(seed)
    k1, k2, k3 = jax.random.split(key, 3)
    n_nodes, n_edges, d_feat = 10000, 320000, 128
    inp = jax.random.normal(k1, (n_nodes, d_feat), dtype=jnp.float32)
    eidx = jax.random.randint(k2, (2, n_edges), 0, n_nodes, dtype=jnp.int64)
    enorm = jax.random.uniform(k3, (n_edges,), dtype=jnp.float32)
    esgn = jnp.ones((n_edges,), dtype=jnp.float32)
    return {"input": inp, "eidx": eidx, "enorm": enorm, "esgn": esgn}


def reference(input, eidx, enorm, esgn):
    sidx = eidx[0]
    tidx = eidx[1]
    # message = input[sidx] * (esgn * enorm).unsqueeze(1)
    message = jnp.take(input, sidx, axis=0) * (esgn * enorm)[:, None]
    # scatter_add into zeros_like(input) along dim 0 at tidx
    res = jnp.zeros_like(input).at[tidx].add(message)
    return res

if __name__ == "__main__":
    import jax
    _d = setup_inputs()
    print(jax.jit(kernel)(*tuple(_d.values())))

</pallas_src>

<mosaic_0001>
#map = affine_map<(d0, d1) -> (0, 0)>
#map1 = affine_map<(d0, d1) -> (0, 0, 0)>
module attributes {stable_mosaic.version = 14 : i64} {
  func.func @_sc_scatter(%arg0: i32, %arg1: i32, %arg2: memref<10000x128xf32, #tpu.memory_space<hbm>>, %arg3: memref<32x160x64xi32, #tpu.memory_space<hbm>>, %arg4: memref<32x160x64xi32, #tpu.memory_space<hbm>>, %arg5: memref<32x160x64xf32, #tpu.memory_space<hbm>>, %arg6: memref<32x160x64xf32, #tpu.memory_space<hbm>>, %arg7: memref<2x10000x128xf32, #tpu.memory_space<hbm>>, %arg8: memref<10000x128xf32, #tpu.memory_space<vmem_shared>>, %arg9: memref<8x64xi32, #tpu.memory_space<vmem>>, %arg10: memref<8x64xi32, #tpu.memory_space<vmem>>, %arg11: memref<8x64xf32, #tpu.memory_space<vmem>>, %arg12: memref<8x64xf32, #tpu.memory_space<vmem>>, %arg13: memref<64x128xf32, #tpu.memory_space<vmem>>, %arg14: memref<64x128xf32, #tpu.memory_space<vmem>>, %arg15: memref<64x128xf32, #tpu.memory_space<vmem>>, %arg16: memref<64x128xf32, #tpu.memory_space<vmem>>, %arg17: memref<40x128xf32, #tpu.memory_space<vmem>>, %arg18: memref<!tpu.dma_semaphore, #tpu.memory_space<semaphore_mem>>, %arg19: memref<!tpu.dma_semaphore, #tpu.memory_space<semaphore_mem>>, %arg20: memref<!tpu.dma_semaphore, #tpu.memory_space<semaphore_mem>>, %arg21: memref<!tpu.dma_semaphore, #tpu.memory_space<semaphore_mem>>) attributes {dimension_semantics = [#tpu.dimension_semantics<core_parallel>, #tpu.dimension_semantics<subcore_parallel>], iteration_bounds = array<i64: 2, 16>, scalar_prefetch = 0 : i64, scratch_operands = 14 : i64, tpu.core_type = #tpu.core_type<sc_vector_subcore>, window_params = [{transform_indices = #map}, {transform_indices = #map1}, {transform_indices = #map1}, {transform_indices = #map1}, {transform_indices = #map1}, {transform_indices = #map1}]} {
    %mul3A = arith.constant 16 : i32
    %mul3A_0 = arith.muli %arg0, %mul3A : i32
    %add3A = arith.addi %mul3A_0, %arg1 : i32
    %broadcast_in_dim3A = arith.constant 0.000000e+00 : f32
    %broadcast_in_dim3A_1 = vector.broadcast %broadcast_in_dim3A : f32 to vector<16xf32>
    %scan3A = arith.constant 0 : i32
    %scan3A_2 = arith.constant 40 : i32
    %scan3A_3 = arith.addi %scan3A, %scan3A_2 : i32
    %scan3A_4 = arith.constant 1 : i32
    scf.for %scan3A_21 = %scan3A to %scan3A_3 step %scan3A_4  : i32 {
      %mul3A_22 = arith.constant 1 : i32
      %mul3A_23 = arith.muli %scan3A_21, %mul3A_22 : i32
      %add3A_24 = arith.constant 0 : i32
      %add3A_25 = arith.addi %add3A_24, %mul3A_23 : i32
      %swap3A = arith.index_cast %add3A_25 : i32 to index
      %swap3A_26 = arith.constant 0 : index
      %swap3A_27 = tpu.vector_load %arg17[%swap3A, %swap3A_26] {strides = array<i32>} : memref<40x128xf32, #tpu.memory_space<vmem>>, vector<1x16xf32>,
      %swap3A_28 = vector.shape_cast %swap3A_27 : vector<1x16xf32> to vector<16xf32>
      %swap3A_29 = vector.shape_cast %broadcast_in_dim3A_1 : vector<16xf32> to vector<1x16xf32>
      tpu.vector_store %arg17[%swap3A, %swap3A_26], %swap3A_29 {strides = array<i32>} : memref<40x128xf32, #tpu.memory_space<vmem>>, vector<1x16xf32>,
      %swap3A_30 = arith.index_cast %add3A_25 : i32 to index
      %swap3A_31 = arith.constant 16 : index
      %swap3A_32 = tpu.vector_load %arg17[%swap3A_30, %swap3A_31] {strides = array<i32>} : memref<40x128xf32, #tpu.memory_space<vmem>>, vector<1x16xf32>,
      %swap3A_33 = vector.shape_cast %swap3A_32 : vector<1x16xf32> to vector<16xf32>
      %swap3A_34 = vector.shape_cast %broadcast_in_dim3A_1 : vector<16xf32> to vector<1x16xf32>
      tpu.vector_store %arg17[%swap3A_30, %swap3A_31], %swap3A_34 {strides = array<i32>} : memref<40x128xf32, #tpu.memory_space<vmem>>, vector<1x16xf32>,
      %swap3A_35 = arith.index_cast %add3A_25 : i32 to index
      %swap3A_36 = arith.constant 32 : index
      %swap3A_37 = tpu.vector_load %arg17[%swap3A_35, %swap3A_36] {strides = array<i32>} : memref<40x128xf32, #tpu.memory_space<vmem>>, vector<1x16xf32>,
      %swap3A_38 = vector.shape_cast %swap3A_37 : vector<1x16xf32> to vector<16xf32>
      %swap3A_39 = vector.shape_cast %broadcast_in_dim3A_1 : vector<16xf32> to vector<1x16xf32>
      tpu.vector_store %arg17[%swap3A_35, %swap3A_36], %swap3A_39 {strides = array<i32>} : memref<40x128xf32, #tpu.memory_space<vmem>>, vector<1x16xf32>,
      %swap3A_40 = arith.index_cast %add3A_25 : i32 to index
      %swap3A_41 = arith.constant 48 : index
      %swap3A_42 = tpu.vector_load %arg17[%swap3A_40, %swap3A_41] {strides = array<i32>} : memref<40x128xf32, #tpu.memory_space<vmem>>, vector<1x16xf32>,
      %swap3A_43 = vector.shape_cast %swap3A_42 : vector<1x16xf32> to vector<16xf32>
      %swap3A_44 = vector.shape_cast %broadcast_in_dim3A_1 : vector<16xf32> to vector<1x16xf32>
      tpu.vector_store %arg17[%swap3A_40, %swap3A_41], %swap3A_44 {strides = array<i32>} : memref<40x128xf32, #tpu.memory_space<vmem>>, vector<1x16xf32>,
      %swap3A_45 = arith.index_cast %add3A_25 : i32 to index
      %swap3A_46 = arith.constant 64 : index
      %swap3A_47 = tpu.vector_load %arg17[%swap3A_45, %swap3A_46] {strides = array<i32>} : memref<40x128xf32, #tpu.memory_space<vmem>>, vector<1x16xf32>,
      %swap3A_48 = vector.shape_cast %swap3A_47 : vector<1x16xf32> to vector<16xf32>
      %swap3A_49 = vector.shape_cast %broadcast_in_dim3A_1 : vector<16xf32> to vector<1x16xf32>
      tpu.vector_store %arg17[%swap3A_45, %swap3A_46], %swap3A_49 {strides = array<i32>} : memref<40x128xf32, #tpu.memory_space<vmem>>, vector<1x16xf32>,
      %swap3A_50 = arith.index_cast %add3A_25 : i32 to index
      %swap3A_51 = arith.constant 80 : index
      %swap3A_52 = tpu.vector_load %arg17[%swap3A_50, %swap3A_51] {strides = array<i32>} : memref<40x128xf32, #tpu.memory_space<vmem>>, vector<1x16xf32>,
      %swap3A_53 = vector.shape_cast %swap3A_52 : vector<1x16xf32> to vector<16xf32>
      %swap3A_54 = vector.shape_cast %broadcast_in_dim3A_1 : vector<16xf32> to vector<1x16xf32>
      tpu.vector_store %arg17[%swap3A_50, %swap3A_51], %swap3A_54 {strides = array<i32>} : memref<40x128xf32, #tpu.memory_space<vmem>>, vector<1x16xf32>,
      %swap3A_55 = arith.index_cast %add3A_25 : i32 to index
      %swap3A_56 = arith.constant 96 : index
      %swap3A_57 = tpu.vector_load %arg17[%swap3A_55, %swap3A_56] {strides = array<i32>} : memref<40x128xf32, #tpu.memory_space<vmem>>, vector<1x16xf32>,
      %swap3A_58 = vector.shape_cast %swap3A_57 : vector<1x16xf32> to vector<16xf32>
      %swap3A_59 = vector.shape_cast %broadcast_in_dim3A_1 : vector<16xf32> to vector<1x16xf32>
      tpu.vector_store %arg17[%swap3A_55, %swap3A_56], %swap3A_59 {strides = array<i32>} : memref<40x128xf32, #tpu.memory_space<vmem>>, vector<1x16xf32>,
      %swap3A_60 = arith.index_cast %add3A_25 : i32 to index
      %swap3A_61 = arith.constant 112 : index
      %swap3A_62 = tpu.vector_load %arg17[%swap3A_60, %swap3A_61] {strides = array<i32>} : memref<40x128xf32, #tpu.memory_space<vmem>>, vector<1x16xf32>,
      %swap3A_63 = vector.shape_cast %swap3A_62 : vector<1x16xf32> to vector<16xf32>
      %swap3A_64 = vector.shape_cast %broadcast_in_dim3A_1 : vector<16xf32> to vector<1x16xf32>
      tpu.vector_store %arg17[%swap3A_60, %swap3A_61], %swap3A_64 {strides = array<i32>} : memref<40x128xf32, #tpu.memory_space<vmem>>, vector<1x16xf32>,
    }
    %scan3A_5 = arith.constant 40 : i32
    %mul3A_6 = arith.constant 1000 : i32
    %mul3A_7 = arith.muli %arg1, %mul3A_6 : i32
    %lt3A = arith.constant 10 : i32
    %lt3A_8 = arith.cmpi slt, %arg1, %lt3A : i32
    %convert_element_type3A = arith.extui %lt3A_8 : i1 to i32
    %cond3A = arith.constant 0 : i32
    %cond3A_9 = arith.cmpi ne, %convert_element_type3A, %cond3A : i32
    scf.if %cond3A_9 {
      %scan3A_21 = arith.constant 0 : i32
      %scan3A_22 = arith.constant 25 : i32
      %scan3A_23 = arith.addi %scan3A_21, %scan3A_22 : i32
      %scan3A_24 = arith.constant 1 : i32
      scf.for %scan3A_26 = %scan3A_21 to %scan3A_23 step %scan3A_24  : i32 {
        %mul3A_27 = arith.constant 1 : i32
        %mul3A_28 = arith.muli %scan3A_26, %mul3A_27 : i32
        %add3A_29 = arith.constant 0 : i32
        %add3A_30 = arith.addi %add3A_29, %mul3A_28 : i32
        %mul3A_31 = arith.constant 40 : i32
        %mul3A_32 = arith.muli %add3A_30, %mul3A_31 : i32
        %add3A_33 = arith.addi %mul3A_7, %mul3A_32 : i32
        "tpu.region"() ({
          %run_scoped3A = tpu.sem_alloc : memref<!tpu.dma_semaphore, #tpu.memory_space<semaphore_mem>>
          %dma_start3A = arith.constant 0 : i32
          %dma_start3A_34 = tpu.memref_slice %arg8[%add3A_33, %dma_start3A] : memref<10000x128xf32, #tpu.memory_space<vmem_shared>> -> memref<40x128xf32, #tpu.memory_space<vmem_shared>>
          %dma_start3A_35 = arith.constant 0 : i32
          %dma_start3A_36 = tpu.memref_slice %arg8[%add3A_33, %dma_start3A_35] : memref<10000x128xf32, #tpu.memory_space<vmem_shared>> -> memref<40x128xf32, #tpu.memory_space<vmem_shared>>
          tpu.enqueue_dma source(%arg17 : memref<40x128xf32, #tpu.memory_space<vmem>>) target(%dma_start3A_36 : memref<40x128xf32, #tpu.memory_space<vmem_shared>>) target_semaphore(%run_scoped3A : memref<!tpu.dma_semaphore, #tpu.memory_space<semaphore_mem>>)
          %dma_wait3A = arith.constant 0 : i32
          %dma_wait3A_37 = tpu.memref_slice %arg8[%add3A_33, %dma_wait3A] : memref<10000x128xf32, #tpu.memory_space<vmem_shared>> -> memref<40x128xf32, #tpu.memory_space<vmem_shared>>
          %dma_wait3A_38 = arith.constant 0 : i32
          %dma_wait3A_39 = tpu.memref_slice %arg8[%add3A_33, %dma_wait3A_38] : memref<10000x128xf32, #tpu.memory_space<vmem_shared>> -> memref<40x128xf32, #tpu.memory_space<vmem_shared>>
          tpu.wait_dma2 semaphore(%run_scoped3A : memref<!tpu.dma_semaphore, #tpu.memory_space<semaphore_mem>>) src(%arg17 : memref<40x128xf32, #tpu.memory_space<vmem>>) dst(%dma_wait3A_39 : memref<40x128xf32, #tpu.memory_space<vmem_shared>>)
          tpu.yield
        }) : () -> ()
      }
      %scan3A_25 = arith.constant 25 : i32
    } else {
    }
    %barrier3A = arith.constant 0 : index
    tpu.barrier barrier_id(%barrier3A)
    %scan3A_10 = arith.constant 0 : i32
    %scan3A_11 = arith.constant 20 : i32
    %scan3A_12 = arith.addi %scan3A_10, %scan3A_11 : i32
    %scan3A_13 = arith.constant 1 : i32
    scf.for %scan3A_21 = %scan3A_10 to %scan3A_12 step %scan3A_13  : i32 {
      %mul3A_22 = arith.constant 1 : i32
      %mul3A_23 = arith.muli %scan3A_21, %mul3A_22 : i32
      %add3A_24 = arith.constant 0 : i32
      %add3A_25 = arith.addi %add3A_24, %mul3A_23 : i32
      %mul3A_26 = arith.constant 8 : i32
      %mul3A_27 = arith.muli %add3A_25, %mul3A_26 : i32
      "tpu.region"() ({
        %run_scoped3A = tpu.sem_alloc : memref<!tpu.dma_semaphore, #tpu.memory_space<semaphore_mem>>
        %dma_start3A_138 = arith.constant 0 : i32
        %dma_start3A_139 = arith.constant 0 : i32
        %dma_start3A_140 = tpu.memref_slice %arg3[%add3A, %dma_start3A_138, %dma_start3A_139] : memref<32x160x64xi32, #tpu.memory_space<hbm>> -> memref<1x160x64xi32, #tpu.memory_space<hbm>>
        %dma_start3A_141 = tpu.memref_squeeze %dma_start3A_140 : memref<1x160x64xi32, #tpu.memory_space<hbm>> -> memref<160x64xi32, #tpu.memory_space<hbm>>
        %dma_start3A_142 = arith.constant 0 : i32
        %dma_start3A_143 = tpu.memref_slice %dma_start3A_141[%mul3A_27, %dma_start3A_142] : memref<160x64xi32, #tpu.memory_space<hbm>> -> memref<8x64xi32, #tpu.memory_space<hbm>>
        %dma_start3A_144 = arith.constant 0 : i32
        %dma_start3A_145 = arith.constant 0 : i32
        %dma_start3A_146 = tpu.memref_slice %arg3[%add3A, %dma_start3A_144, %dma_start3A_145] : memref<32x160x64xi32, #tpu.memory_space<hbm>> -> memref<1x160x64xi32, #tpu.memory_space<hbm>>
        %dma_start3A_147 = tpu.memref_squeeze %dma_start3A_146 : memref<1x160x64xi32, #tpu.memory_space<hbm>> -> memref<160x64xi32, #tpu.memory_space<hbm>>
        %dma_start3A_148 = arith.constant 0 : i32
        %dma_start3A_149 = tpu.memref_slice %dma_start3A_147[%mul3A_27, %dma_start3A_148] : memref<160x64xi32, #tpu.memory_space<hbm>> -> memref<8x64xi32, #tpu.memory_space<hbm>>
        tpu.enqueue_dma source(%dma_start3A_149 : memref<8x64xi32, #tpu.memory_space<hbm>>) target(%arg9 : memref<8x64xi32, #tpu.memory_space<vmem>>) target_semaphore(%run_scoped3A : memref<!tpu.dma_semaphore, #tpu.memory_space<semaphore_mem>>)
        %dma_wait3A_150 = arith.constant 0 : i32
        %dma_wait3A_151 = arith.constant 0 : i32
        %dma_wait3A_152 = tpu.memref_slice %arg3[%add3A, %dma_wait3A_150, %dma_wait3A_151] : memref<32x160x64xi32, #tpu.memory_space<hbm>> -> memref<1x160x64xi32, #tpu.memory_space<hbm>>
        %dma_wait3A_153 = tpu.memref_squeeze %dma_wait3A_152 : memref<1x160x64xi32, #tpu.memory_space<hbm>> -> memref<160x64xi32, #tpu.memory_space<hbm>>
        %dma_wait3A_154 = arith.constant 0 : i32
        %dma_wait3A_155 = tpu.memref_slice %dma_wait3A_153[%mul3A_27, %dma_wait3A_154] : memref<160x64xi32, #tpu.memory_space<hbm>> -> memref<8x64xi32, #tpu.memory_space<hbm>>
        %dma_wait3A_156 = arith.constant 0 : i32
        %dma_wait3A_157 = arith.constant 0 : i32
        %dma_wait3A_158 = tpu.memref_slice %arg3[%add3A, %dma_wait3A_156, %dma_wait3A_157] : memref<32x160x64xi32, #tpu.memory_space<hbm>> -> memref<1x160x64xi32, #tpu.memory_space<hbm>>
        %dma_wait3A_159 = tpu.memref_squeeze %dma_wait3A_158 : memref<1x160x64xi32, #tpu.memory_space<hbm>> -> memref<160x64xi32, #tpu.memory_space<hbm>>
        %dma_wait3A_160 = arith.constant 0 : i32
        %dma_wait3A_161 = tpu.memref_slice %dma_wait3A_159[%mul3A_27, %dma_wait3A_160] : memref<160x64xi32, #tpu.memory_space<hbm>> -> memref<8x64xi32, #tpu.memory_space<hbm>>
        tpu.wait_dma2 semaphore(%run_scoped3A : memref<!tpu.dma_semaphore, #tpu.memory_space<semaphore_mem>>) src(%dma_wait3A_161 : memref<8x64xi32, #tpu.memory_space<hbm>>) dst(%arg9 : memref<8x64xi32, #tpu.memory_space<vmem>>)
        tpu.yield
      }) : () -> ()
      "tpu.region"() ({
        %run_scoped3A = tpu.sem_alloc : memref<!tpu.dma_semaphore, #tpu.memory_space<semaphore_mem>>
        %dma_start3A_138 = arith.constant 0 : i32
        %dma_start3A_139 = arith.constant 0 : i32
        %dma_start3A_140 = tpu.memref_slice %arg4[%add3A, %dma_start3A_138, %dma_start3A_139] : memref<32x160x64xi32, #tpu.memory_space<hbm>> -> memref<1x160x64xi32, #tpu.memory_space<hbm>>
        %dma_start3A_141 = tpu.memref_squeeze %dma_start3A_140 : memref<1x160x64xi32, #tpu.memory_space<hbm>> -> memref<160x64xi32, #tpu.memory_space<hbm>>
        %dma_start3A_142 = arith.constant 0 : i32
        %dma_start3A_143 = tpu.memref_slice %dma_start3A_141[%mul3A_27, %dma_start3A_142] : memref<160x64xi32, #tpu.memory_space<hbm>> -> memref<8x64xi32, #tpu.memory_space<hbm>>
        %dma_start3A_144 = arith.constant 0 : i32
        %dma_start3A_145 = arith.constant 0 : i32
        %dma_start3A_146 = tpu.memref_slice %arg4[%add3A, %dma_start3A_144, %dma_start3A_145] : memref<32x160x64xi32, #tpu.memory_space<hbm>> -> memref<1x160x64xi32, #tpu.memory_space<hbm>>
        %dma_start3A_147 = tpu.memref_squeeze %dma_start3A_146 : memref<1x160x64xi32, #tpu.memory_space<hbm>> -> memref<160x64xi32, #tpu.memory_space<hbm>>
        %dma_start3A_148 = arith.constant 0 : i32
        %dma_start3A_149 = tpu.memref_slice %dma_start3A_147[%mul3A_27, %dma_start3A_148] : memref<160x64xi32, #tpu.memory_space<hbm>> -> memref<8x64xi32, #tpu.memory_space<hbm>>
        tpu.enqueue_dma source(%dma_start3A_149 : memref<8x64xi32, #tpu.memory_space<hbm>>) target(%arg10 : memref<8x64xi32, #tpu.memory_space<vmem>>) target_semaphore(%run_scoped3A : memref<!tpu.dma_semaphore, #tpu.memory_space<semaphore_mem>>)
        %dma_wait3A_150 = arith.constant 0 : i32
        %dma_wait3A_151 = arith.constant 0 : i32
        %dma_wait3A_152 = tpu.memref_slice %arg4[%add3A, %dma_wait3A_150, %dma_wait3A_151] : memref<32x160x64xi32, #tpu.memory_space<hbm>> -> memref<1x160x64xi32, #tpu.memory_space<hbm>>
        %dma_wait3A_153 = tpu.memref_squeeze %dma_wait3A_152 : memref<1x160x64xi32, #tpu.memory_space<hbm>> -> memref<160x64xi32, #tpu.memory_space<hbm>>
        %dma_wait3A_154 = arith.constant 0 : i32
        %dma_wait3A_155 = tpu.memref_slice %dma_wait3A_153[%mul3A_27, %dma_wait3A_154] : memref<160x64xi32, #tpu.memory_space<hbm>> -> memref<8x64xi32, #tpu.memory_space<hbm>>
        %dma_wait3A_156 = arith.constant 0 : i32
        %dma_wait3A_157 = arith.constant 0 : i32
        %dma_wait3A_158 = tpu.memref_slice %arg4[%add3A, %dma_wait3A_156, %dma_wait3A_157] : memref<32x160x64xi32, #tpu.memory_space<hbm>> -> memref<1x160x64xi32, #tpu.memory_space<hbm>>
        %dma_wait3A_159 = tpu.memref_squeeze %dma_wait3A_158 : memref<1x160x64xi32, #tpu.memory_space<hbm>> -> memref<160x64xi32, #tpu.memory_space<hbm>>
        %dma_wait3A_160 = arith.constant 0 : i32
        %dma_wait3A_161 = tpu.memref_slice %dma_wait3A_159[%mul3A_27, %dma_wait3A_160] : memref<160x64xi32, #tpu.memory_space<hbm>> -> memref<8x64xi32, #tpu.memory_space<hbm>>
        tpu.wait_dma2 semaphore(%run_scoped3A : memref<!tpu.dma_semaphore, #tpu.memory_space<semaphore_mem>>) src(%dma_wait3A_161 : memref<8x64xi32, #tpu.memory_space<hbm>>) dst(%arg10 : memref<8x64xi32, #tpu.memory_space<vmem>>)
        tpu.yield
      }) : () -> ()
      "tpu.region"() ({
        %run_scoped3A = tpu.sem_alloc : memref<!tpu.dma_semaphore, #tpu.memory_space<semaphore_mem>>
        %dma_start3A_138 = arith.constant 0 : i32
        %dma_start3A_139 = arith.constant 0 : i32
        %dma_start3A_140 = tpu.memref_slice %arg5[%add3A, %dma_start3A_138, %dma_start3A_139] : memref<32x160x64xf32, #tpu.memory_space<hbm>> -> memref<1x160x64xf32, #tpu.memory_space<hbm>>
        %dma_start3A_141 = tpu.memref_squeeze %dma_start3A_140 : memref<1x160x64xf32, #tpu.memory_space<hbm>> -> memref<160x64xf32, #tpu.memory_space<hbm>>
        %dma_start3A_142 = arith.constant 0 : i32
        %dma_start3A_143 = tpu.memref_slice %dma_start3A_141[%mul3A_27, %dma_start3A_142] : memref<160x64xf32, #tpu.memory_space<hbm>> -> memref<8x64xf32, #tpu.memory_space<hbm>>
        %dma_start3A_144 = arith.constant 0 : i32
        %dma_start3A_145 = arith.constant 0 : i32
        %dma_start3A_146 = tpu.memref_slice %arg5[%add3A, %dma_start3A_144, %dma_start3A_145] : memref<32x160x64xf32, #tpu.memory_space<hbm>> -> memref<1x160x64xf32, #tpu.memory_space<hbm>>
        %dma_start3A_147 = tpu.memref_squeeze %dma_start3A_146 : memref<1x160x64xf32, #tpu.memory_space<hbm>> -> memref<160x64xf32, #tpu.memory_space<hbm>>
        %dma_start3A_148 = arith.constant 0 : i32
        %dma_start3A_149 = tpu.memref_slice %dma_start3A_147[%mul3A_27, %dma_start3A_148] : memref<160x64xf32, #tpu.memory_space<hbm>> -> memref<8x64xf32, #tpu.memory_space<hbm>>
        tpu.enqueue_dma source(%dma_start3A_149 : memref<8x64xf32, #tpu.memory_space<hbm>>) target(%arg11 : memref<8x64xf32, #tpu.memory_space<vmem>>) target_semaphore(%run_scoped3A : memref<!tpu.dma_semaphore, #tpu.memory_space<semaphore_mem>>)
        %dma_wait3A_150 = arith.constant 0 : i32
        %dma_wait3A_151 = arith.constant 0 : i32
        %dma_wait3A_152 = tpu.memref_slice %arg5[%add3A, %dma_wait3A_150, %dma_wait3A_151] : memref<32x160x64xf32, #tpu.memory_space<hbm>> -> memref<1x160x64xf32, #tpu.memory_space<hbm>>
        %dma_wait3A_153 = tpu.memref_squeeze %dma_wait3A_152 : memref<1x160x64xf32, #tpu.memory_space<hbm>> -> memref<160x64xf32, #tpu.memory_space<hbm>>
        %dma_wait3A_154 = arith.constant 0 : i32
        %dma_wait3A_155 = tpu.memref_slice %dma_wait3A_153[%mul3A_27, %dma_wait3A_154] : memref<160x64xf32, #tpu.memory_space<hbm>> -> memref<8x64xf32, #tpu.memory_space<hbm>>
        %dma_wait3A_156 = arith.constant 0 : i32
        %dma_wait3A_157 = arith.constant 0 : i32
        %dma_wait3A_158 = tpu.memref_slice %arg5[%add3A, %dma_wait3A_156, %dma_wait3A_157] : memref<32x160x64xf32, #tpu.memory_space<hbm>> -> memref<1x160x64xf32, #tpu.memory_space<hbm>>
        %dma_wait3A_159 = tpu.memref_squeeze %dma_wait3A_158 : memref<1x160x64xf32, #tpu.memory_space<hbm>> -> memref<160x64xf32, #tpu.memory_space<hbm>>
        %dma_wait3A_160 = arith.constant 0 : i32
        %dma_wait3A_161 = tpu.memref_slice %dma_wait3A_159[%mul3A_27, %dma_wait3A_160] : memref<160x64xf32, #tpu.memory_space<hbm>> -> memref<8x64xf32, #tpu.memory_space<hbm>>
        tpu.wait_dma2 semaphore(%run_scoped3A : memref<!tpu.dma_semaphore, #tpu.memory_space<semaphore_mem>>) src(%dma_wait3A_161 : memref<8x64xf32, #tpu.memory_space<hbm>>) dst(%arg11 : memref<8x64xf32, #tpu.memory_space<vmem>>)
        tpu.yield
      }) : () -> ()
      "tpu.region"() ({
        %run_scoped3A = tpu.sem_alloc : memref<!tpu.dma_semaphore, #tpu.memory_space<semaphore_mem>>
        %dma_start3A_138 = arith.constant 0 : i32
        %dma_start3A_139 = arith.constant 0 : i32
        %dma_start3A_140 = tpu.memref_slice %arg6[%add3A, %dma_start3A_138, %dma_start3A_139] : memref<32x160x64xf32, #tpu.memory_space<hbm>> -> memref<1x160x64xf32, #tpu.memory_space<hbm>>
        %dma_start3A_141 = tpu.memref_squeeze %dma_start3A_140 : memref<1x160x64xf32, #tpu.memory_space<hbm>> -> memref<160x64xf32, #tpu.memory_space<hbm>>
        %dma_start3A_142 = arith.constant 0 : i32
        %dma_start3A_143 = tpu.memref_slice %dma_start3A_141[%mul3A_27, %dma_start3A_142] : memref<160x64xf32, #tpu.memory_space<hbm>> -> memref<8x64xf32, #tpu.memory_space<hbm>>
        %dma_start3A_144 = arith.constant 0 : i32
        %dma_start3A_145 = arith.constant 0 : i32
        %dma_start3A_146 = tpu.memref_slice %arg6[%add3A, %dma_start3A_144, %dma_start3A_145] : memref<32x160x64xf32, #tpu.memory_space<hbm>> -> memref<1x160x64xf32, #tpu.memory_space<hbm>>
        %dma_start3A_147 = tpu.memref_squeeze %dma_start3A_146 : memref<1x160x64xf32, #tpu.memory_space<hbm>> -> memref<160x64xf32, #tpu.memory_space<hbm>>
        %dma_start3A_148 = arith.constant 0 : i32
        %dma_start3A_149 = tpu.memref_slice %dma_start3A_147[%mul3A_27, %dma_start3A_148] : memref<160x64xf32, #tpu.memory_space<hbm>> -> memref<8x64xf32, #tpu.memory_space<hbm>>
        tpu.enqueue_dma source(%dma_start3A_149 : memref<8x64xf32, #tpu.memory_space<hbm>>) target(%arg12 : memref<8x64xf32, #tpu.memory_space<vmem>>) target_semaphore(%run_scoped3A : memref<!tpu.dma_semaphore, #tpu.memory_space<semaphore_mem>>)
        %dma_wait3A_150 = arith.constant 0 : i32
        %dma_wait3A_151 = arith.constant 0 : i32
        %dma_wait3A_152 = tpu.memref_slice %arg6[%add3A, %dma_wait3A_150, %dma_wait3A_151] : memref<32x160x64xf32, #tpu.memory_space<hbm>> -> memref<1x160x64xf32, #tpu.memory_space<hbm>>
        %dma_wait3A_153 = tpu.memref_squeeze %dma_wait3A_152 : memref<1x160x64xf32, #tpu.memory_space<hbm>> -> memref<160x64xf32, #tpu.memory_space<hbm>>
        %dma_wait3A_154 = arith.constant 0 : i32
        %dma_wait3A_155 = tpu.memref_slice %dma_wait3A_153[%mul3A_27, %dma_wait3A_154] : memref<160x64xf32, #tpu.memory_space<hbm>> -> memref<8x64xf32, #tpu.memory_space<hbm>>
        %dma_wait3A_156 = arith.constant 0 : i32
        %dma_wait3A_157 = arith.constant 0 : i32
        %dma_wait3A_158 = tpu.memref_slice %arg6[%add3A, %dma_wait3A_156, %dma_wait3A_157] : memref<32x160x64xf32, #tpu.memory_space<hbm>> -> memref<1x160x64xf32, #tpu.memory_space<hbm>>
        %dma_wait3A_159 = tpu.memref_squeeze %dma_wait3A_158 : memref<1x160x64xf32, #tpu.memory_space<hbm>> -> memref<160x64xf32, #tpu.memory_space<hbm>>
        %dma_wait3A_160 = arith.constant 0 : i32
        %dma_wait3A_161 = tpu.memref_slice %dma_wait3A_159[%mul3A_27, %dma_wait3A_160] : memref<160x64xf32, #tpu.memory_space<hbm>> -> memref<8x64xf32, #tpu.memory_space<hbm>>
        tpu.wait_dma2 semaphore(%run_scoped3A : memref<!tpu.dma_semaphore, #tpu.memory_space<semaphore_mem>>) src(%dma_wait3A_161 : memref<8x64xf32, #tpu.memory_space<hbm>>) dst(%arg12 : memref<8x64xf32, #tpu.memory_space<vmem>>)
        tpu.yield
      }) : () -> ()
      %dma_start3A = arith.constant 0 : i32
      %dma_start3A_28 = arith.constant 0 : i32
      %dma_start3A_29 = tpu.memref_slice %arg9[%dma_start3A, %dma_start3A_28] : memref<8x64xi32, #tpu.memory_space<vmem>> -> memref<1x64xi32, #tpu.memory_space<vmem>>
      %dma_start3A_30 = tpu.memref_squeeze %dma_start3A_29 : memref<1x64xi32, #tpu.memory_space<vmem>> -> memref<64xi32, #tpu.memory_space<vmem>>
      %dma_start3A_31 = arith.constant 0 : i32
      %dma_start3A_32 = arith.constant 0 : i32
      %dma_start3A_33 = tpu.memref_slice %arg2[%dma_start3A_31, %dma_start3A_32] : memref<10000x128xf32, #tpu.memory_space<hbm>> -> memref<10000x128xf32, #tpu.memory_space<hbm>>
      tpu.enqueue_indirect_dma source(%dma_start3A_33 : memref<10000x128xf32, #tpu.memory_space<hbm>>) target(%arg13 : memref<64x128xf32, #tpu.memory_space<vmem>>) offsets(%dma_start3A_30 : memref<64xi32, #tpu.memory_space<vmem>>) semaphore(%arg18 : memref<!tpu.dma_semaphore, #tpu.memory_space<semaphore_mem>>)
      %dma_start3A_34 = arith.constant 1 : i32
      %dma_start3A_35 = arith.constant 0 : i32
      %dma_start3A_36 = tpu.memref_slice %arg9[%dma_start3A_34, %dma_start3A_35] : memref<8x64xi32, #tpu.memory_space<vmem>> -> memref<1x64xi32, #tpu.memory_space<vmem>>
      %dma_start3A_37 = tpu.memref_squeeze %dma_start3A_36 : memref<1x64xi32, #tpu.memory_space<vmem>> -> memref<64xi32, #tpu.memory_space<vmem>>
      %dma_start3A_38 = arith.constant 0 : i32
      %dma_start3A_39 = arith.constant 0 : i32
      %dma_start3A_40 = tpu.memref_slice %arg2[%dma_start3A_38, %dma_start3A_39] : memref<10000x128xf32, #tpu.memory_space<hbm>> -> memref<10000x128xf32, #tpu.memory_space<hbm>>
      tpu.enqueue_indirect_dma source(%dma_start3A_40 : memref<10000x128xf32, #tpu.memory_space<hbm>>) target(%arg14 : memref<64x128xf32, #tpu.memory_space<vmem>>) offsets(%dma_start3A_37 : memref<64xi32, #tpu.memory_space<vmem>>) semaphore(%arg19 : memref<!tpu.dma_semaphore, #tpu.memory_space<semaphore_mem>>)
      %dma_start3A_41 = arith.constant 2 : i32
      %dma_start3A_42 = arith.constant 0 : i32
      %dma_start3A_43 = tpu.memref_slice %arg9[%dma_start3A_41, %dma_start3A_42] : memref<8x64xi32, #tpu.memory_space<vmem>> -> memref<1x64xi32, #tpu.memory_space<vmem>>
      %dma_start3A_44 = tpu.memref_squeeze %dma_start3A_43 : memref<1x64xi32, #tpu.memory_space<vmem>> -> memref<64xi32, #tpu.memory_space<vmem>>
      %dma_start3A_45 = arith.constant 0 : i32
      %dma_start3A_46 = arith.constant 0 : i32
      %dma_start3A_47 = tpu.memref_slice %arg2[%dma_start3A_45, %dma_start3A_46] : memref<10000x128xf32, #tpu.memory_space<hbm>> -> memref<10000x128xf32, #tpu.memory_space<hbm>>
      tpu.enqueue_indirect_dma source(%dma_start3A_47 : memref<10000x128xf32, #tpu.memory_space<hbm>>) target(%arg15 : memref<64x128xf32, #tpu.memory_space<vmem>>) offsets(%dma_start3A_44 : memref<64xi32, #tpu.memory_space<vmem>>) semaphore(%arg20 : memref<!tpu.dma_semaphore, #tpu.memory_space<semaphore_mem>>)
      %dma_start3A_48 = arith.constant 3 : i32
      %dma_start3A_49 = arith.constant 0 : i32
      %dma_start3A_50 = tpu.memref_slice %arg9[%dma_start3A_48, %dma_start3A_49] : memref<8x64xi32, #tpu.memory_space<vmem>> -> memref<1x64xi32, #tpu.memory_space<vmem>>
      %dma_start3A_51 = tpu.memref_squeeze %dma_start3A_50 : memref<1x64xi32, #tpu.memory_space<vmem>> -> memref<64xi32, #tpu.memory_space<vmem>>
      %dma_start3A_52 = arith.constant 0 : i32
      %dma_start3A_53 = arith.constant 0 : i32
      %dma_start3A_54 = tpu.memref_slice %arg2[%dma_start3A_52, %dma_start3A_53] : memref<10000x128xf32, #tpu.memory_space<hbm>> -> memref<10000x128xf32, #tpu.memory_space<hbm>>
      tpu.enqueue_indirect_dma source(%dma_start3A_54 : memref<10000x128xf32, #tpu.memory_space<hbm>>) target(%arg16 : memref<64x128xf32, #tpu.memory_space<vmem>>) offsets(%dma_start3A_51 : memref<64xi32, #tpu.memory_space<vmem>>) semaphore(%arg21 : memref<!tpu.dma_semaphore, #tpu.memory_space<semaphore_mem>>)
      %dma_wait3A = arith.constant 0 : i32
      %dma_wait3A_55 = arith.constant 0 : i32
      %dma_wait3A_56 = tpu.memref_slice %arg9[%dma_wait3A, %dma_wait3A_55] : memref<8x64xi32, #tpu.memory_space<vmem>> -> memref<1x64xi32, #tpu.memory_space<vmem>>
      %dma_wait3A_57 = tpu.memref_squeeze %dma_wait3A_56 : memref<1x64xi32, #tpu.memory_space<vmem>> -> memref<64xi32, #tpu.memory_space<vmem>>
      %dma_wait3A_58 = arith.constant 0 : i32
      %dma_wait3A_59 = arith.constant 0 : i32
      %dma_wait3A_60 = tpu.memref_slice %arg2[%dma_wait3A_58, %dma_wait3A_59] : memref<10000x128xf32, #tpu.memory_space<hbm>> -> memref<10000x128xf32, #tpu.memory_space<hbm>>
      tpu.wait_indirect_dma semaphore(%arg18 : memref<!tpu.dma_semaphore, #tpu.memory_space<semaphore_mem>>) src(%dma_wait3A_60 : memref<10000x128xf32, #tpu.memory_space<hbm>>) dst(%arg13 : memref<64x128xf32, #tpu.memory_space<vmem>>)
      %dma_start3A_61 = arith.constant 4 : i32
      %dma_start3A_62 = arith.constant 0 : i32
      %dma_start3A_63 = tpu.memref_slice %arg9[%dma_start3A_61, %dma_start3A_62] : memref<8x64xi32, #tpu.memory_space<vmem>> -> memref<1x64xi32, #tpu.memory_space<vmem>>
      %dma_start3A_64 = tpu.memref_squeeze %dma_start3A_63 : memref<1x64xi32, #tpu.memory_space<vmem>> -> memref<64xi32, #tpu.memory_space<vmem>>
      %dma_start3A_65 = arith.constant 0 : i32
      %dma_start3A_66 = arith.constant 0 : i32
      %dma_start3A_67 = tpu.memref_slice %arg2[%dma_start3A_65, %dma_start3A_66] : memref<10000x128xf32, #tpu.memory_space<hbm>> -> memref<10000x128xf32, #tpu.memory_space<hbm>>
      tpu.enqueue_indirect_dma source(%dma_start3A_67 : memref<10000x128xf32, #tpu.memory_space<hbm>>) target(%arg13 : memref<64x128xf32, #tpu.memory_space<vmem>>) offsets(%dma_start3A_64 : memref<64xi32, #tpu.memory_space<vmem>>) semaphore(%arg18 : memref<!tpu.dma_semaphore, #tpu.memory_space<semaphore_mem>>)
      %dma_wait3A_68 = arith.constant 1 : i32
      %dma_wait3A_69 = arith.constant 0 : i32
      %dma_wait3A_70 = tpu.memref_slice %arg9[%dma_wait3A_68, %dma_wait3A_69] : memref<8x64xi32, #tpu.memory_space<vmem>> -> memref<1x64xi32, #tpu.memory_space<vmem>>
      %dma_wait3A_71 = tpu.memref_squeeze %dma_wait3A_70 : memref<1x64xi32, #tpu.memory_space<vmem>> -> memref<64xi32, #tpu.memory_space<vmem>>
      %dma_wait3A_72 = arith.constant 0 : i32
      %dma_wait3A_73 = arith.constant 0 : i32
      %dma_wait3A_74 = tpu.memref_slice %arg2[%dma_wait3A_72, %dma_wait3A_73] : memref<10000x128xf32, #tpu.memory_space<hbm>> -> memref<10000x128xf32, #tpu.memory_space<hbm>>
      tpu.wait_indirect_dma semaphore(%arg19 : memref<!tpu.dma_semaphore, #tpu.memory_space<semaphore_mem>>) src(%dma_wait3A_74 : memref<10000x128xf32, #tpu.memory_space<hbm>>) dst(%arg14 : memref<64x128xf32, #tpu.memory_space<vmem>>)
      %dma_start3A_75 = arith.constant 5 : i32
      %dma_start3A_76 = arith.constant 0 : i32
      %dma_start3A_77 = tpu.memref_slice %arg9[%dma_start3A_75, %dma_start3A_76] : memref<8x64xi32, #tpu.memory_space<vmem>> -> memref<1x64xi32, #tpu.memory_space<vmem>>
      %dma_start3A_78 = tpu.memref_squeeze %dma_start3A_77 : memref<1x64xi32, #tpu.memory_space<vmem>> -> memref<64xi32, #tpu.memory_space<vmem>>
      %dma_start3A_79 = arith.constant 0 : i32
      %dma_start3A_80 = arith.constant 0 : i32
      %dma_start3A_81 = tpu.memref_slice %arg2[%dma_start3A_79, %dma_start3A_80] : memref<10000x128xf32, #tpu.memory_space<hbm>> -> memref<10000x128xf32, #tpu.memory_space<hbm>>
      tpu.enqueue_indirect_dma source(%dma_start3A_81 : memref<10000x128xf32, #tpu.memory_space<hbm>>) target(%arg14 : memref<64x128xf32, #tpu.memory_space<vmem>>) offsets(%dma_start3A_78 : memref<64xi32, #tpu.memory_space<vmem>>) semaphore(%arg19 : memref<!tpu.dma_semaphore, #tpu.memory_space<semaphore_mem>>)
      %dma_wait3A_82 = arith.constant 2 : i32
      %dma_wait3A_83 = arith.constant 0 : i32
      %dma_wait3A_84 = tpu.memref_slice %arg9[%dma_wait3A_82, %dma_wait3A_83] : memref<8x64xi32, #tpu.memory_space<vmem>> -> memref<1x64xi32, #tpu.memory_space<vmem>>
      %dma_wait3A_85 = tpu.memref_squeeze %dma_wait3A_84 : memref<1x64xi32, #tpu.memory_space<vmem>> -> memref<64xi32, #tpu.memory_space<vmem>>
      %dma_wait3A_86 = arith.constant 0 : i32
      %dma_wait3A_87 = arith.constant 0 : i32
      %dma_wait3A_88 = tpu.memref_slice %arg2[%dma_wait3A_86, %dma_wait3A_87] : memref<10000x128xf32, #tpu.memory_space<hbm>> -> memref<10000x128xf32, #tpu.memory_space<hbm>>
      tpu.wait_indirect_dma semaphore(%arg20 : memref<!tpu.dma_semaphore, #tpu.memory_space<semaphore_mem>>) src(%dma_wait3A_88 : memref<10000x128xf32, #tpu.memory_space<hbm>>) dst(%arg15 : memref<64x128xf32, #tpu.memory_space<vmem>>)
      %dma_start3A_89 = arith.constant 6 : i32
      %dma_start3A_90 = arith.constant 0 : i32
      %dma_start3A_91 = tpu.memref_slice %arg9[%dma_start3A_89, %dma_start3A_90] : memref<8x64xi32, #tpu.memory_space<vmem>> -> memref<1x64xi32, #tpu.memory_space<vmem>>
      %dma_start3A_92 = tpu.memref_squeeze %dma_start3A_91 : memref<1x64xi32, #tpu.memory_space<vmem>> -> memref<64xi32, #tpu.memory_space<vmem>>
      %dma_start3A_93 = arith.constant 0 : i32
      %dma_start3A_94 = arith.constant 0 : i32
      %dma_start3A_95 = tpu.memref_slice %arg2[%dma_start3A_93, %dma_start3A_94] : memref<10000x128xf32, #tpu.memory_space<hbm>> -> memref<10000x128xf32, #tpu.memory_space<hbm>>
      tpu.enqueue_indirect_dma source(%dma_start3A_95 : memref<10000x128xf32, #tpu.memory_space<hbm>>) target(%arg15 : memref<64x128xf32, #tpu.memory_space<vmem>>) offsets(%dma_start3A_92 : memref<64xi32, #tpu.memory_space<vmem>>) semaphore(%arg20 : memref<!tpu.dma_semaphore, #tpu.memory_space<semaphore_mem>>)
      %dma_wait3A_96 = arith.constant 3 : i32
      %dma_wait3A_97 = arith.constant 0 : i32
      %dma_wait3A_98 = tpu.memref_slice %arg9[%dma_wait3A_96, %dma_wait3A_97] : memref<8x64xi32, #tpu.memory_space<vmem>> -> memref<1x64xi32, #tpu.memory_space<vmem>>
      %dma_wait3A_99 = tpu.memref_squeeze %dma_wait3A_98 : memref<1x64xi32, #tpu.memory_space<vmem>> -> memref<64xi32, #tpu.memory_space<vmem>>
      %dma_wait3A_100 = arith.constant 0 : i32
      %dma_wait3A_101 = arith.constant 0 : i32
      %dma_wait3A_102 = tpu.memref_slice %arg2[%dma_wait3A_100, %dma_wait3A_101] : memref<10000x128xf32, #tpu.memory_space<hbm>> -> memref<10000x128xf32, #tpu.memory_space<hbm>>
      tpu.wait_indirect_dma semaphore(%arg21 : memref<!tpu.dma_semaphore, #tpu.memory_space<semaphore_mem>>) src(%dma_wait3A_102 : memref<10000x128xf32, #tpu.memory_space<hbm>>) dst(%arg16 : memref<64x128xf32, #tpu.memory_space<vmem>>)
      %dma_start3A_103 = arith.constant 7 : i32
      %dma_start3A_104 = arith.constant 0 : i32
      %dma_start3A_105 = tpu.memref_slice %arg9[%dma_start3A_103, %dma_start3A_104] : memref<8x64xi32, #tpu.memory_space<vmem>> -> memref<1x64xi32, #tpu.memory_space<vmem>>
      %dma_start3A_106 = tpu.memref_squeeze %dma_start3A_105 : memref<1x64xi32, #tpu.memory_space<vmem>> -> memref<64xi32, #tpu.memory_space<vmem>>
      %dma_start3A_107 = arith.constant 0 : i32
      %dma_start3A_108 = arith.constant 0 : i32
      %dma_start3A_109 = tpu.memref_slice %arg2[%dma_start3A_107, %dma_start3A_108] : memref<10000x128xf32, #tpu.memory_space<hbm>> -> memref<10000x128xf32, #tpu.memory_space<hbm>>
      tpu.enqueue_indirect_dma source(%dma_start3A_109 : memref<10000x128xf32, #tpu.memory_space<hbm>>) target(%arg16 : memref<64x128xf32, #tpu.memory_space<vmem>>) offsets(%dma_start3A_106 : memref<64xi32, #tpu.memory_space<vmem>>) semaphore(%arg21 : memref<!tpu.dma_semaphore, #tpu.memory_space<semaphore_mem>>)
      %dma_wait3A_110 = arith.constant 4 : i32
      %dma_wait3A_111 = arith.constant 0 : i32
      %dma_wait3A_112 = tpu.memref_slice %arg9[%dma_wait3A_110, %dma_wait3A_111] : memref<8x64xi32, #tpu.memory_space<vmem>> -> memref<1x64xi32, #tpu.memory_space<vmem>>
      %dma_wait3A_113 = tpu.memref_squeeze %dma_wait3A_112 : memref<1x64xi32, #tpu.memory_space<vmem>> -> memref<64xi32, #tpu.memory_space<vmem>>
      %dma_wait3A_114 = arith.constant 0 : i32
      %dma_wait3A_115 = arith.constant 0 : i32
      %dma_wait3A_116 = tpu.memref_slice %arg2[%dma_wait3A_114, %dma_wait3A_115] : memref<10000x128xf32, #tpu.memory_space<hbm>> -> memref<10000x128xf32, #tpu.memory_space<hbm>>
      tpu.wait_indirect_dma semaphore(%arg18 : memref<!tpu.dma_semaphore, #tpu.memory_space<semaphore_mem>>) src(%dma_wait3A_116 : memref<10000x128xf32, #tpu.memory_space<hbm>>) dst(%arg13 : memref<64x128xf32, #tpu.memory_space<vmem>>)
      %dma_wait3A_117 = arith.constant 5 : i32
      %dma_wait3A_118 = arith.constant 0 : i32
      %dma_wait3A_119 = tpu.memref_slice %arg9[%dma_wait3A_117, %dma_wait3A_118] : memref<8x64xi32, #tpu.memory_space<vmem>> -> memref<1x64xi32, #tpu.memory_space<vmem>>
      %dma_wait3A_120 = tpu.memref_squeeze %dma_wait3A_119 : memref<1x64xi32, #tpu.memory_space<vmem>> -> memref<64xi32, #tpu.memory_space<vmem>>
      %dma_wait3A_121 = arith.constant 0 : i32
      %dma_wait3A_122 = arith.constant 0 : i32
      %dma_wait3A_123 = tpu.memref_slice %arg2[%dma_wait3A_121, %dma_wait3A_122] : memref<10000x128xf32, #tpu.memory_space<hbm>> -> memref<10000x128xf32, #tpu.memory_space<hbm>>
      tpu.wait_indirect_dma semaphore(%arg19 : memref<!tpu.dma_semaphore, #tpu.memory_space<semaphore_mem>>) src(%dma_wait3A_123 : memref<10000x128xf32, #tpu.memory_space<hbm>>) dst(%arg14 : memref<64x128xf32, #tpu.memory_space<vmem>>)
      %dma_wait3A_124 = arith.constant 6 : i32
      %dma_wait3A_125 = arith.constant 0 : i32
      %dma_wait3A_126 = tpu.memref_slice %arg9[%dma_wait3A_124, %dma_wait3A_125] : memref<8x64xi32, #tpu.memory_space<vmem>> -> memref<1x64xi32, #tpu.memory_space<vmem>>
      %dma_wait3A_127 = tpu.memref_squeeze %dma_wait3A_126 : memref<1x64xi32, #tpu.memory_space<vmem>> -> memref<64xi32, #tpu.memory_space<vmem>>
      %dma_wait3A_128 = arith.constant 0 : i32
      %dma_wait3A_129 = arith.constant 0 : i32
      %dma_wait3A_130 = tpu.memref_slice %arg2[%dma_wait3A_128, %dma_wait3A_129] : memref<10000x128xf32, #tpu.memory_space<hbm>> -> memref<10000x128xf32, #tpu.memory_space<hbm>>
      tpu.wait_indirect_dma semaphore(%arg20 : memref<!tpu.dma_semaphore, #tpu.memory_space<semaphore_mem>>) src(%dma_wait3A_130 : memref<10000x128xf32, #tpu.memory_space<hbm>>) dst(%arg15 : memref<64x128xf32, #tpu.memory_space<vmem>>)
      %dma_wait3A_131 = arith.constant 7 : i32
      %dma_wait3A_132 = arith.constant 0 : i32
      %dma_wait3A_133 = tpu.memref_slice %arg9[%dma_wait3A_131, %dma_wait3A_132] : memref<8x64xi32, #tpu.memory_space<vmem>> -> memref<1x64xi32, #tpu.memory_space<vmem>>
      %dma_wait3A_134 = tpu.memref_squeeze %dma_wait3A_133 : memref<1x64xi32, #tpu.memory_space<vmem>> -> memref<64xi32, #tpu.memory_space<vmem>>
      %dma_wait3A_135 = arith.constant 0 : i32
      %dma_wait3A_136 = arith.constant 0 : i32
      %dma_wait3A_137 = tpu.memref_slice %arg2[%dma_wait3A_135, %dma_wait3A_136] : memref<10000x128xf32, #tpu.memory_space<hbm>> -> memref<10000x128xf32, #tpu.memory_space<hbm>>
      tpu.wait_indirect_dma semaphore(%arg21 : memref<!tpu.dma_semaphore, #tpu.memory_space<semaphore_mem>>) src(%dma_wait3A_137 : memref<10000x128xf32, #tpu.memory_space<hbm>>) dst(%arg16 : memref<64x128xf32, #tpu.memory_space<vmem>>)
    }
    %scan3A_14 = arith.constant 20 : i32
    %barrier3A_15 = arith.constant 0 : index
    tpu.barrier barrier_id(%barrier3A_15)
    %lt3A_16 = arith.constant 10 : i32
    %lt3A_17 = arith.cmpi slt, %arg1, %lt3A_16 : i32
    %convert_element_type3A_18 = arith.extui %lt3A_17 : i1 to i32
    %cond3A_19 = arith.constant 0 : i32
    %cond3A_20 = arith.cmpi ne, %convert_element_type3A_18, %cond3A_19 : i32
    scf.if %cond3A_20 {
      %scan3A_21 = arith.constant 0 : i32
      %scan3A_22 = arith.constant 25 : i32
      %scan3A_23 = arith.addi %scan3A_21, %scan3A_22 : i32
      %scan3A_24 = arith.constant 1 : i32
      scf.for %scan3A_26 = %scan3A_21 to %scan3A_23 step %scan3A_24  : i32 {
        %mul3A_27 = arith.constant 1 : i32
        %mul3A_28 = arith.muli %scan3A_26, %mul3A_27 : i32
        %add3A_29 = arith.constant 0 : i32
        %add3A_30 = arith.addi %add3A_29, %mul3A_28 : i32
        %mul3A_31 = arith.constant 40 : i32
        %mul3A_32 = arith.muli %add3A_30, %mul3A_31 : i32
        %add3A_33 = arith.addi %mul3A_7, %mul3A_32 : i32
        "tpu.region"() ({
          %run_scoped3A = tpu.sem_alloc : memref<!tpu.dma_semaphore, #tpu.memory_space<semaphore_mem>>
          %dma_start3A = arith.constant 0 : i32
          %dma_start3A_34 = tpu.memref_slice %arg8[%add3A_33, %dma_start3A] : memref<10000x128xf32, #tpu.memory_space<vmem_shared>> -> memref<40x128xf32, #tpu.memory_space<vmem_shared>>
          %dma_start3A_35 = arith.constant 0 : i32
          %dma_start3A_36 = tpu.memref_slice %arg8[%add3A_33, %dma_start3A_35] : memref<10000x128xf32, #tpu.memory_space<vmem_shared>> -> memref<40x128xf32, #tpu.memory_space<vmem_shared>>
          tpu.enqueue_dma source(%dma_start3A_36 : memref<40x128xf32, #tpu.memory_space<vmem_shared>>) target(%arg17 : memref<40x128xf32, #tpu.memory_space<vmem>>) target_semaphore(%run_scoped3A : memref<!tpu.dma_semaphore, #tpu.memory_space<semaphore_mem>>)
          %dma_wait3A = arith.constant 0 : i32
          %dma_wait3A_37 = tpu.memref_slice %arg8[%add3A_33, %dma_wait3A] : memref<10000x128xf32, #tpu.memory_space<vmem_shared>> -> memref<40x128xf32, #tpu.memory_space<vmem_shared>>
          %dma_wait3A_38 = arith.constant 0 : i32
          %dma_wait3A_39 = tpu.memref_slice %arg8[%add3A_33, %dma_wait3A_38] : memref<10000x128xf32, #tpu.memory_space<vmem_shared>> -> memref<40x128xf32, #tpu.memory_space<vmem_shared>>
          tpu.wait_dma2 semaphore(%run_scoped3A : memref<!tpu.dma_semaphore, #tpu.memory_space<semaphore_mem>>) src(%dma_wait3A_39 : memref<40x128xf32, #tpu.memory_space<vmem_shared>>) dst(%arg17 : memref<40x128xf32, #tpu.memory_space<vmem>>)
          tpu.yield
        }) : () -> ()
        "tpu.region"() ({
          %run_scoped3A = tpu.sem_alloc : memref<!tpu.dma_semaphore, #tpu.memory_space<semaphore_mem>>
          %dma_start3A = arith.constant 0 : i32
          %dma_start3A_34 = arith.constant 0 : i32
          %dma_start3A_35 = tpu.memref_slice %arg7[%arg0, %dma_start3A, %dma_start3A_34] : memref<2x10000x128xf32, #tpu.memory_space<hbm>> -> memref<1x10000x128xf32, #tpu.memory_space<hbm>>
          %dma_start3A_36 = tpu.memref_squeeze %dma_start3A_35 : memref<1x10000x128xf32, #tpu.memory_space<hbm>> -> memref<10000x128xf32, #tpu.memory_space<hbm>>
          %dma_start3A_37 = arith.constant 0 : i32
          %dma_start3A_38 = tpu.memref_slice %dma_start3A_36[%add3A_33, %dma_start3A_37] : memref<10000x128xf32, #tpu.memory_space<hbm>> -> memref<40x128xf32, #tpu.memory_space<hbm>>
          %dma_start3A_39 = arith.constant 0 : i32
          %dma_start3A_40 = arith.constant 0 : i32
          %dma_start3A_41 = tpu.memref_slice %arg7[%arg0, %dma_start3A_39, %dma_start3A_40] : memref<2x10000x128xf32, #tpu.memory_space<hbm>> -> memref<1x10000x128xf32, #tpu.memory_space<hbm>>
          %dma_start3A_42 = tpu.memref_squeeze %dma_start3A_41 : memref<1x10000x128xf32, #tpu.memory_space<hbm>> -> memref<10000x128xf32, #tpu.memory_space<hbm>>
          %dma_start3A_43 = arith.constant 0 : i32
          %dma_start3A_44 = tpu.memref_slice %dma_start3A_42[%add3A_33, %dma_start3A_43] : memref<10000x128xf32, #tpu.memory_space<hbm>> -> memref<40x128xf32, #tpu.memory_space<hbm>>
          tpu.enqueue_dma source(%arg17 : memref<40x128xf32, #tpu.memory_space<vmem>>) target(%dma_start3A_44 : memref<40x128xf32, #tpu.memory_space<hbm>>) target_semaphore(%run_scoped3A : memref<!tpu.dma_semaphore, #tpu.memory_space<semaphore_mem>>)
          %dma_wait3A = arith.constant 0 : i32
          %dma_wait3A_45 = arith.constant 0 : i32
          %dma_wait3A_46 = tpu.memref_slice %arg7[%arg0, %dma_wait3A, %dma_wait3A_45] : memref<2x10000x128xf32, #tpu.memory_space<hbm>> -> memref<1x10000x128xf32, #tpu.memory_space<hbm>>
          %dma_wait3A_47 = tpu.memref_squeeze %dma_wait3A_46 : memref<1x10000x128xf32, #tpu.memory_space<hbm>> -> memref<10000x128xf32, #tpu.memory_space<hbm>>
          %dma_wait3A_48 = arith.constant 0 : i32
          %dma_wait3A_49 = tpu.memref_slice %dma_wait3A_47[%add3A_33, %dma_wait3A_48] : memref<10000x128xf32, #tpu.memory_space<hbm>> -> memref<40x128xf32, #tpu.memory_space<hbm>>
          %dma_wait3A_50 = arith.constant 0 : i32
          %dma_wait3A_51 = arith.constant 0 : i32
          %dma_wait3A_52 = tpu.memref_slice %arg7[%arg0, %dma_wait3A_50, %dma_wait3A_51] : memref<2x10000x128xf32, #tpu.memory_space<hbm>> -> memref<1x10000x128xf32, #tpu.memory_space<hbm>>
          %dma_wait3A_53 = tpu.memref_squeeze %dma_wait3A_52 : memref<1x10000x128xf32, #tpu.memory_space<hbm>> -> memref<10000x128xf32, #tpu.memory_space<hbm>>
          %dma_wait3A_54 = arith.constant 0 : i32
          %dma_wait3A_55 = tpu.memref_slice %dma_wait3A_53[%add3A_33, %dma_wait3A_54] : memref<10000x128xf32, #tpu.memory_space<hbm>> -> memref<40x128xf32, #tpu.memory_space<hbm>>
          tpu.wait_dma2 semaphore(%run_scoped3A : memref<!tpu.dma_semaphore, #tpu.memory_space<semaphore_mem>>) src(%arg17 : memref<40x128xf32, #tpu.memory_space<vmem>>) dst(%dma_wait3A_55 : memref<40x128xf32, #tpu.memory_space<hbm>>)
          tpu.yield
        }) : () -> ()
      }
      %scan3A_25 = arith.constant 25 : i32
    } else {
    }
    return
  }
}

module attributes {stable_mosaic.version = 14 : i64} {
  func.func @_combine(%arg0: i32, %arg1: memref<2x1000x128xf32, #tpu.memory_space<vmem>>, %arg2: memref<1000x128xf32, #tpu.memory_space<vmem>>) attributes {dimension_semantics = [#tpu.dimension_semantics<arbitrary>], iteration_bounds = array<i64: 10>, scalar_prefetch = 0 : i64, scratch_operands = 0 : i64, tpu.core_type = #tpu.core_type<tc>, window_params = [{transform_indices = @transform_0, window_bounds = array<i64: 2, 1000, 128>}, {transform_indices = @transform_1, window_bounds = array<i64: 1000, 128>}]} {
    %get3A = arith.constant 0 : index
    %get3A_0 = arith.constant 0 : index
    %get3A_1 = arith.constant 0 : index
    %get3A_2 = vector.load %arg1[%get3A, %get3A_0, %get3A_1] : memref<2x1000x128xf32, #tpu.memory_space<vmem>>, vector<1x1000x128xf32>
    %get3A_3 = vector.shape_cast %get3A_2 : vector<1x1000x128xf32> to vector<1000x128xf32>
    %get3A_4 = arith.constant 1 : index
    %get3A_5 = arith.constant 0 : index
    %get3A_6 = arith.constant 0 : index
    %get3A_7 = vector.load %arg1[%get3A_4, %get3A_5, %get3A_6] : memref<2x1000x128xf32, #tpu.memory_space<vmem>>, vector<1x1000x128xf32>
    %get3A_8 = vector.shape_cast %get3A_7 : vector<1x1000x128xf32> to vector<1000x128xf32>
    %add3A = arith.addf %get3A_3, %get3A_8 : vector<1000x128xf32>
    %swap3A = arith.constant 0 : index
    %swap3A_9 = arith.constant 0 : index
    %swap3A_10 = vector.load %arg2[%swap3A, %swap3A_9] : memref<1000x128xf32, #tpu.memory_space<vmem>>, vector<1000x128xf32>
    tpu.vector_store %arg2[%swap3A, %swap3A_9], %add3A {strides = array<i32>} : memref<1000x128xf32, #tpu.memory_space<vmem>>, vector<1000x128xf32>,
    return
  }
  func.func @transform_0(%arg0: i32) -> (i32, i32, i32) {
    %c0_i32 = arith.constant 0 : i32
    %c0_i32_0 = arith.constant 0 : i32
    %c0_i32_1 = arith.constant 0 : i32
    return %c0_i32, %arg0, %c0_i32_0 : i32, i32, i32
  }
  func.func @transform_1(%arg0: i32) -> (i32, i32) {
    %c0_i32 = arith.constant 0 : i32
    %c0_i32_0 = arith.constant 0 : i32
    return %arg0, %c0_i32 : i32, i32
  }
}

</mosaic_0001>

<sc_bundles>
// kernel: _graph_conv.4.cloned.1.call-start
scs
__scs_entry_jumppad:
0x0: {  	(pc) =	sbr.rel $0x88, $3  }
0x1: {  	(tag) =	ssettag $0x0;
	lr =	simm.s32 $0x1  }
0x2: {  	[smem:$0x3F9C] =	sst lr;
	_ =	strace $0xD0000000  }
0x3: {  	_ = 	snop  }
0x4: {  	_ = 	snop  }
0x5: {  	_ = 	snop  }
0x6: {  	_ = 	snop  }
0x7: {  	_ = 	snop  }
__scs_overlays_trampoline_lowered:
0x8: {  	[smem:$0x3FAB] =	sst s0  }
0x9: {  	[smem:$0x3FAC] =	sst s1  }
0xa: {  	[smem:$0x3FAD] =	sst s2  }
0xb: {  	[smem:$0x3FAE] =	sst s3  }
0xc: {  	[smem:$0x3FAF] =	sst s4  }
0xd: {  	[smem:$0x3FB0] =	sst s5  }
0xe: {  	[smem:$0x3FB1] =	sst s6  }
0xf: {  	[smem:$0x3FB2] =	sst s7  }
0x10: {  	[smem:$0x3FB3] =	sst s8  }
0x11: {  	[smem:$0x3FB4] =	sst s9;
	s0 =	simm.s32 @!p0 $0x0  }
0x12: {  	s1 =	sld [smem:$0x3F9A];
	s0 =	simm.s32 @p0 $0x1  }
0x13: {  	[smem:$0x3FB5] =	sst s0;
	s0 =	simm.s32 @!p1 $0x0  }
0x14: {  	s2 =	sld [smem:$0x3F99];
	s0 =	simm.s32 @p1 $0x1  }
0x15: {  	[smem:$0x3FB6] =	sst s0;
	s0 =	simm.s32 @!p2 $0x0  }
0x16: {  	s3 =	sld [smem:$0x3FDB];
	s0 =	simm.s32 @p2 $0x1  }
0x17: {  	s4 =	simm.s32 $0x1BF5;
	[smem:$0x3FB8] =	sst s0  }
0x18: {  	s0 =	sld [smem:$0x3F9B];
	_ =	swait.ge [sflag:s4], $0x0  }
0x19: {  	s7 =	sld [smem:$0x3F9C]  }
0x1a: {  	s8 =	sadd.s32 $0xFFFFE003, lr  }
0x1b: {  	s9 =	sadd.s32 $0xFFFFFEF7, lr;
	s5 =	simm.s32 $0xFFFFFFFF;
	p2 =	slt.u32 s8, $0xFFFFF086  }
0x1c: {  	p1 =	slt.u32 s9, $0xF7A;
	s5 =	simm.s32 @!p2 $0x0  }
0x1d: {  	s5 =	simm.s32 @p1 $0x1;
	p0 =	seq.s32 s7, s2  }
0x1e: {  	s7 =	smul.u32 @!p0 $0xF7A, s2;
	p2 =	seq.s32 @!p0 s5, $0x0  }
0x1f: {  	s9 =	smul.u32 $0xF7A, s1;
	s8 =	simm.s32 @!p0 $0x1BF5;
	p2 =	por !p2, p0  }
0x20: {  	[sflag:s8] =	ssyncset.s32 @!p0 $0xFFFFF086;
	s6 =	sadd.s32 @!p0 s3, s7;
	s7 =	simm.s32 @!p0 $0x108  }
0x21: {  	s3 =	sadd.s32 s3, s9;
	s6 =	sadd.s32 @!p0 $0x88, s6;
	s7 =	simm.s32 @p2 $0x1082  }
0x22: {  	[simem:s7], [sflag:s8] =	dma.local @!p0 [hbm:s6], $0xF7A  }
0x23: {  	s9 =	sor.u32 $0xD0000000, s2;
	s6 =	simm.s32 $0x108;
	_ =	swait.ge @!p0 [sflag:s8], $0x0  }
0x24: {  	s3 =	sadd.s32 $0x88, s3;
	s6 =	simm.s32 @!p1 $0x1082;
	[sflag:s4] =	ssyncset.s32 $0xFFFFF086  }
0x25: {  	[simem:s6], [sflag:s4] =	dma.local [hbm:s3], $0xF7A  }
0x26: {  	[smem:$0x3F9C] =	sst s1;
	(tag) =	ssettag s2;
	_ =	strace s9  }
0x27: {  	s1 =	sld [smem:$0x3FAC]  }
0x28: {  	s2 =	sld [smem:$0x3FAD]  }
0x29: {  	s4 =	sld [smem:$0x3FAF]  }
0x2a: {  	p0 =	seq.s32 s5, $0x0;
	s5 =	sld [smem:$0x3FB0]  }
0x2b: {  	s6 =	sld [smem:$0x3FB1]  }
0x2c: {  	s7 =	sld [smem:$0x3FB2]  }
0x2d: {  	s3 =	simm.s32 $0x108;
	s8 =	sld [smem:$0x3FB3]  }
0x2e: {  	s3 =	simm.s32 @!p0 $0x1082;
	s9 =	sld [smem:$0x3FB4]  }
0x2f: {  	lr =	sadd.s32 s0, s3;
	s0 =	sld [smem:$0x3FAB]  }
0x30: {  	s3 =	sld [smem:$0x3FAE]  }
0x31: {  	[smem:$0x3FB7] =	sst s10  }
0x32: {  	s10 =	sld [smem:$0x3FB5];
	_ =	sdelay $0x3  }
0x33: {  	p0 =	seq.s32 s10, $0x1;
	s10 =	sld [smem:$0x3FB7];
	_ =	sdelay $0x3  }
0x34: {  	[smem:$0x3FB7] =	sst s10  }
0x35: {  	s10 =	sld [smem:$0x3FB6];
	_ =	sdelay $0x3  }
0x36: {  	p1 =	seq.s32 s10, $0x1;
	s10 =	sld [smem:$0x3FB7];
	_ =	sdelay $0x3  }
0x37: {  	[smem:$0x3FB7] =	sst s10  }
0x38: {  	s10 =	sld [smem:$0x3FB8]  }
0x39: {  	_ = 	snop;
	(pc) =	sbr.ind lr, $3  }
0x3a: {  	_ = 	snop  }
0x3b: {  	_ = 	snop  }
0x3c: {  	p2 =	seq.s32 s10, $0x1;
	s10 =	sld [smem:$0x3FB7]  }
0x3d: {  	_ =	shalt  }
0x3e: {  	_ =	shalt  }
0x3f: {  	_ =	shalt  }
0x40: {  	_ =	shalt  }
0x41: {  	_ =	shalt  }
0x42: {  	_ =	shalt  }
0x43: {  	_ =	shalt  }
0x44: {  	_ =	shalt  }
0x45: {  	_ =	shalt  }
0x46: {  	_ =	shalt  }
0x47: {  	_ =	shalt  }
0x48: {  	_ =	shalt  }
0x49: {  	_ =	shalt  }
0x4a: {  	_ =	shalt  }
0x4b: {  	_ =	shalt  }
0x4c: {  	_ =	shalt  }
0x4d: {  	_ =	shalt  }
0x4e: {  	_ =	shalt  }
0x4f: {  	_ =	shalt  }
0x50: {  	_ =	shalt  }
0x51: {  	_ =	shalt  }
0x52: {  	_ =	shalt  }
0x53: {  	_ =	shalt  }
0x54: {  	_ =	shalt  }
0x55: {  	_ =	shalt  }
0x56: {  	_ =	shalt  }
0x57: {  	_ =	shalt  }
0x58: {  	_ =	shalt  }
0x59: {  	_ =	shalt  }
0x5a: {  	_ =	shalt  }
0x5b: {  	_ =	shalt  }
0x5c: {  	_ =	shalt  }
0x5d: {  	_ =	shalt  }
0x5e: {  	_ =	shalt  }
0x5f: {  	_ =	shalt  }
0x60: {  	_ =	shalt  }
0x61: {  	_ =	shalt  }
0x62: {  	_ =	shalt  }
0x63: {  	_ =	shalt  }
0x64: {  	_ =	shalt  }
0x65: {  	_ =	shalt  }
0x66: {  	_ =	shalt  }
0x67: {  	_ =	shalt  }
0x68: {  	_ =	shalt  }
0x69: {  	_ =	shalt  }
0x6a: {  	_ =	shalt  }
0x6b: {  	_ =	shalt  }
0x6c: {  	_ =	shalt  }
0x6d: {  	_ =	shalt  }
0x6e: {  	_ =	shalt  }
0x6f: {  	_ =	shalt  }
0x70: {  	_ =	shalt  }
0x71: {  	_ =	shalt  }
0x72: {  	_ =	shalt  }
0x73: {  	_ =	shalt  }
0x74: {  	_ =	shalt  }
0x75: {  	_ =	shalt  }
0x76: {  	_ =	shalt  }
0x77: {  	_ =	shalt  }
0x78: {  	_ =	shalt  }
0x79: {  	_ =	shalt  }
0x7a: {  	_ =	shalt  }
0x7b: {  	_ =	shalt  }
0x7c: {  	_ =	shalt  }
0x7d: {  	_ =	shalt  }
0x7e: {  	_ =	shalt  }
0x7f: {  	_ =	shalt  }
0x80: {  	_ =	shalt  }
0x81: {  	_ =	shalt  }
0x82: {  	_ =	shalt  }
0x83: {  	_ =	shalt  }
0x84: {  	_ =	shalt  }
0x85: {  	_ =	shalt  }
0x86: {  	_ =	shalt  }
0x87: {  	_ =	shalt  }
.Lfunc_end0:
.L_simem_size_0:
called_computation_lowered:
.L_overlay_start_0:
0x88: {  	s2 =	sld [smem:$0x3FD9]  }
0x89: {  	s3 =	sld [smem:$0x3FFE];
	_ =	sdelay $0x1  }
0x8a: {  	s1 =	srdreg.scid  }
0x8b: {  	s0 =	sand.u32 $0x1, s1  }
0x8c: {  	s17 =	sshll.u32 s0, $0xA;
	s2 =	sadd.s32 s3, s2  }
0x8d: {  	s2 =	sadd.s32 s2, s17  }
0x8e: {  	[smem:$0x3FC3] =	sst s2  }
0x8f: {  	_ = 	snop  }
0x90: {  	s2 =	sld [smem:$0x3FC9]  }
0x91: {  	s18 =	sld [smem:$0x3FD0];
	(tm) =	ssettm $0x1  }
0x92: {  	s4 =	sld [smem:$0x3FFB];
	_ =	sdelay $0x3  }
0x93: {  	_ =	strace s4  }
0x94: {  	s4 =	sld [smem:$0x3FFC];
	_ =	sdelay $0x3  }
0x95: {  	_ =	strace s4  }
0x96: {  	s4 =	sld [smem:$0x3FFD];
	_ =	sdelay $0x3  }
0x97: {  	_ =	strace s4  }
0x98: {  	_ =	strace $0x8FFFFFFF  }
0x99: {  	s19 =	sld [smem:$0x3FDB];
	_ =	sdelay $0x1  }
0x9a: {  	s5 =	simm.s32 $_scs_section_size  }
0x9b: {  	s6 =	simm.s32 $_size__tile_overlayer_lowered;
	s7 =	simm.s32 $_tile_overlayer_lowered  }
0x9c: {  	s22 =	simm.s32 $0x1BFF;
	s21 =	sshll.u32 s7, $0x1;
	s4 =	sadd.s32 s5, s19  }
0x9d: {  	s8 =	simm.s32 $0x0;
	s20 =	sshll.u32 s6, $0x1;
	s6 =	sadd.s32 s21, s4  }
0x9e: {  	[timem:s8], [sflag:s22] =	dma.local [hbm:s6], s20  }
0x9f: {  	_ =	swait.ge [sflag:s22], s20  }
0xa0: {  	s5 =	ssub.s32 $0x0, s20;
	[sflag:s22] =	ssyncset.done $0x0  }
0xa1: {  	[sflag:s22] =	ssyncadd.s32 s5;
	_ =	sdelay $0x1  }
0xa2: {  	s23 =	simm.s32 $0x1B8B  }
0xa3: {  	_ =	swait.ge [sflag:s23], $0x1  }
0xa4: {  	[sflag:s23] =	ssyncset.done $0x0  }
0xa5: {  	s25 =	simm.s32 $0x1B8E;
	s24 =	sld [smem:$0x3FFE];
	[sflag:s23] =	ssyncadd.s32 $0xFFFFFFFF  }
0xa6: {  	s26 =	simm.s32 $execute0_lowered;
	[smem:$0x3FD2] =	sst s25  }
0xa7: {  	s6 =	sshll.u32 s26, $0x1;
	_ =	strace $0x80000046;
	[dreg:$0x1] =	wrdreg $0xFFFFFFFF  }
0xa8: {  	s28 =	simm.s32 $_size_execute0_lowered;
	s4 =	sadd.s32 s4, s6;
	[dreg:$0x0] =	wrdreg $0x0  }
0xa9: {  	s6 =	sshll.u32 s28, $0x1;
	[dreg:$0x2] =	wrdreg s4  }
0xaa: {  	[dreg:$0x3] =	wrdreg s6  }
0xab: {  	[dreg:$0x4] =	wrdreg $0xC0  }
0xac: {  	_ =	task [dreg:s8], $0x5FFFF  }
0xad: {  	[dreg:$0x1] =	wrdreg $0xFFFFFFFF  }
0xae: {  	[dreg:$0x0] =	wrdreg $0x60  }
0xaf: {  	[dreg:$0x2] =	wrdreg s2  }
0xb0: {  	[dreg:$0x3] =	wrdreg s18  }
0xb1: {  	[dreg:$0x4] =	wrdreg s24  }
0xb2: {  	[dreg:$0x5] =	wrdreg $0x0  }
0xb3: {  	[dreg:$0x6] =	wrdreg $0x9  }
0xb4: {  	_ =	task.clear_ibuf [dreg:s8], $0x7FFFF;
	_ =	strace $0x90000046  }
0xb5: {  	s29 =	simm.s32 $0x9;
	_ =	strace $0x80000048  }
0xb6: {  	_ =	swait.ge [sflag:s29], $0x1  }
0xb7: {  	[sflag:s29] =	ssyncadd.s32 $0xFFFFFFFF  }
0xb8: {  	_ =	strace $0x90000048  }
0xb9: {  	_ =	sfence  }
0xba: {  	s30 =	sld [smem:$0x0];
	_ =	sdelay $0x2  }
0xbb: {  	s31 =	sshll.u32 s1, $0xD;
	s1 =	sshrl.u32 s1, $0x2  }
0xbc: {  	s3 =	sand.u32 $0x4000, s31;
	s1 =	sadd.s32 s1, s30  }
0xbd: {  	s0 =	sor.u32 s3, s0;
	s1 =	sshll.u32 s1, $0x11  }
0xbe: {  	s0 =	sor.u32 s1, s0  }
0xbf: {  	s0 =	sadd.s32 $0x8F2B, s0  }
0xc0: {  	[sflag:s0] =	ssyncadd.remote.s32 $0x1  }
0xc1: {  	_ =	sfence.sel $0xFFFF  }
0xc2: {  	[dreg:$0x0] =	wrdreg $0xFFFFFFFF;
	(pc) =	sbr.abs _section_cstart, $3  }
0xc3: {  	[dreg:$0x1] =	wrdreg $0xFFFFFFFF  }
0xc4: {  	_ =	task.clear_ibuf [dreg:s8], $0x2FFFF;
	_ =	strace $0x9FFFFFFF  }
0xc5: {  	(tm) =	ssettm $0x7FFFFFFF  }
tec
execute0_lowered:
.L_overlay_start_1:
0x0: {  	(tag) =	ssettag $0x1  }
0x1: {  	s0 =	rddreg [dreg:$0x0]  }
0x2: {  	s1 =	srdreg.scid;
	s2 =	rddreg [dreg:$0x1]  }
0x3: {  	s4 =	rddreg [dreg:$0x2];
	s10 =	stileid.u32  }
0x4: {  	s6 =	rddreg [dreg:$0x3];
	s11 =	simm.s32 $0x13C80;
	s12 =	simm.s32 $0x14080  }
0x5: {  	s13 =	simm.s32 $0x14480;
	s14 =	simm.s32 $0x40;
	s15 =	simm.s32 $0x14880  }
0x6: {  	s16 =	simm.s32 $0x13900;
	s17 =	simm.s32 $0x16880;
	s18 =	simm.s32 $0x13980  }
0x7: {  	s19 =	simm.s32 $0x18880;
	s20 =	simm.s32 $0x13A00;
	s21 =	simm.s32 $0x1A880  }
0x8: {  	s28 =	simm.s32 $0x3;
	s29 =	simm.s32 $0x13B80;
	s30 =	simm.s32 $0x4  }
0x9: {  	s31 =	simm.s32 $0x13C00;
	s1 =	sand.u32 $0x1, s1;
	s23 =	smul.u32 $0x7D000, s10  }
0xa: {  	s26 =	smul.u32 $0x3E80, s10;
	p0 =	sgt.u32 s10, $0x9;
	s3 =	sshll.u32 s1, $0x4  }
0xb: {  	s7 =	smul.u32 $0x27100, s1;
	s1 =	ssub.s32 $0x2, s1;
	s5 =	sor.u32 s10, s3  }
0xc: {  	s3 =	simm.s32 $0x0;
	s9 =	sshrl.u32 s1, $0x1;
	s25 =	sshrl.u32 s23, $0x2  }
0xd: {  	s10 =	simm.s32 $0x13880;
	s23 =	simm.s32 $0x13A80;
	s5 =	smul.u32 $0xA00, s5  }
0xe: {  	[smem:$0x7FF] =	sst s3;
	s7 =	sadd.s32 s7, s4;
	s1 =	ssub.s32 s1, s9  }
0xf: {  	s9 =	simm.s32 $0x5;
	_ =	strace $0x80000047;
	s24 =	sadd.s32 $0x3CC00, s7  }
0x10: {  	s1 =	smax.u32 s1, $0x1;
	s7 =	sadd.s32 s25, s6;
	s25 =	simm.s32 $0x2  }
.Ltmp0:
0x11: {  	s8 =	sadd.s32 s5, s4;
	[dreg:$0x7] =	wrdreg s1;
	(pc) =	sbr.rel .LBB2_1-.Ltmp0, $4  }
0x12: {  	s2 =	sadd.s32 s2, s5;
	s24 =	sadd.s32 s24, s26;
	[dreg:$0x8] =	wrdreg s7  }
0x13: {  	s26 =	simm.s32 $0x13B00;
	[dreg:$0x5] =	wrdreg s2;
	s22 =	sadd.s32 $0xC00, s8  }
0x14: {  	s4 =	sadd.s32 $0x14C00, s8;
	s5 =	sadd.s32 $0x28C00, s8;
	s8 =	simm.s32 $0x1C880  }
0x15: {  	v0 =	vimm.f32 $0.0e+00;
	s2 =	simm.s32 $0x0;
	[dreg:$0x6] =	wrdreg s22;
	s22 =	simm.s32 $0x1  }
.LBB2_12:
0x16: {  	[sflag:s9] =	ssyncadd.s32 $0xFFFFEC00;
	s2 =	rddreg [dreg:$0x9]  }
.LBB2_13:
0x17: {  	s2 =	sadd.s32 $0x1, s2;
	s1 =	rddreg [dreg:$0x7]  }
0x18: {  	p1 =	sne.s32 s2, s1  }
.Ltmp1:
0x19: {  	_ = 	snop;
	(pc) =	sbr.rel @!p1 .LBB2_14-.Ltmp1, $1  }
0x1a: {  	_ =	sdelay $0x3  }
.LBB2_1:
0x1b: {  	[dreg:$0x9] =	wrdreg s2;
	s1 =	simm.s32 $0x0;
	s6 =	simm.s32 $0x200  }
.LBB2_2:
0x1c: {  	p1 =	sne.s32 s6, $0x4E00;
	[tilespmem:s1+$0x1C8F0] =	vst v0  }
0x1d: {  	[tilespmem:s1+$0x1C880] =	vst v0  }
0x1e: {  	[tilespmem:s1+$0x1C890] =	vst v0  }
.Ltmp2:
0x1f: {  	[tilespmem:s1+$0x1C8A0] =	vst v0;
	(pc) =	sbr.rel @p1 .LBB2_2-.Ltmp2, $4  }
0x20: {  	[tilespmem:s1+$0x1C8B0] =	vst v0  }
0x21: {  	[tilespmem:s1+$0x1C8C0] =	vst v0  }
0x22: {  	[tilespmem:s1+$0x1C8D0] =	vst v0  }
0x23: {  	[tilespmem:s1+$0x1C8E0] =	vst v0;
	s1 =	sshra.s32 s6, $0x2;
	s6 =	sadd.s32 $0x200, s6  }
0x24: {  	[tilespmem:s1+$0x1C8F0] =	vst v0  }
0x25: {  	[tilespmem:s1+$0x1C880] =	vst v0  }
0x26: {  	[tilespmem:s1+$0x1C890] =	vst v0  }
.Ltmp3:
0x27: {  	[tilespmem:s1+$0x1C8A0] =	vst v0;
	(pc) =	sbr.rel @p0 .LBB2_7-.Ltmp3, $4  }
0x28: {  	[tilespmem:s1+$0x1C8B0] =	vst v0  }
0x29: {  	[tilespmem:s1+$0x1C8C0] =	vst v0  }
0x2a: {  	[tilespmem:s1+$0x1C8D0] =	vst v0  }
0x2b: {  	[tilespmem:s1+$0x1C8E0] =	vst v0  }
0x2c: {  	s1 =	sadd.s32 $0x0, s7  }
0x2d: {  	[spmem:s1] =	stream.linear.scatter [tilespmem:s8], [sflag:$0x5], $0x1400, $0x38;
	[tilespmem:$0x1DC80] =	vst v63  }
0x2e: {  	s1 =	simm.s32 $0x5000;
	_ =	swait.ge [sflag:s9], $0x1400  }
.LBB2_5:
0x2f: {  	s2 =	sshra.s32 s1, $0x2;
	[sflag:s9] =	ssyncset.done $0x0;
	p1 =	sne.s32 s1, $0x78000  }
.Ltmp4:
0x30: {  	s2 =	sadd.s32 s2, s7;
	[sflag:s9] =	ssyncadd.s32 $0xFFFFEC00;
	(pc) =	sbr.rel @p1 .LBB2_5-.Ltmp4, $3  }
0x31: {  	[spmem:s2] =	stream.linear.scatter [tilespmem:s8], [sflag:$0x5], $0x1400, $0x38;
	[tilespmem:$0x1DC80] =	vst v63  }
0x32: {  	s1 =	sadd.s32 $0x5000, s1;
	_ =	sdelay $0x1  }
0x33: {  	_ =	swait.ge [sflag:s9], $0x1400  }
0x34: {  	[sflag:s9] =	ssyncset.done $0x0  }
0x35: {  	[sflag:s9] =	ssyncadd.s32 $0xFFFFEC00  }
.LBB2_7:
0x36: {  	[bflag:$0x0] =	sbarrier.arrive $0xFFFF  }
0x37: {  	s1 =	rddreg [dreg:$0x5]  }
0x38: {  	s1 =	sadd.s32 $0x0, s1  }
0x39: {  	[tilespmem:s10], [sflag:$0x5] =	stream.linear.gather [hbm4b:s1+s3], $0x400, $0x38;
	[tilespmem:$0x1DC80] =	vst v63  }
0x3a: {  	_ =	swait.ge [sflag:s9], $0x400  }
0x3b: {  	s2 =	rddreg [dreg:$0x6];
	[sflag:s9] =	ssyncset.done $0x0  }
0x3c: {  	[sflag:s9] =	ssyncadd.s32 $0xFFFFFC00;
	s1 =	sadd.s32 $0x0, s2  }
0x3d: {  	[tilespmem:s11], [sflag:$0x5] =	stream.linear.gather [hbm4b:s1+s3], $0x400, $0x38;
	[tilespmem:$0x1DC80] =	vst v63  }
0x3e: {  	_ =	swait.ge [sflag:s9], $0x400  }
0x3f: {  	[sflag:s9] =	ssyncset.done $0x0  }
0x40: {  	s6 =	sadd.s32 $0x0, s4;
	[sflag:s9] =	ssyncadd.s32 $0xFFFFFC00  }
0x41: {  	[tilespmem:s12], [sflag:$0x5] =	stream.linear.gather [hbm4b:s6+s3], $0x400, $0x38;
	[tilespmem:$0x1DC80] =	vst v63  }
0x42: {  	_ =	swait.ge [sflag:s9], $0x400  }
0x43: {  	[sflag:s9] =	ssyncset.done $0x0  }
0x44: {  	s7 =	sadd.s32 $0x0, s5;
	[sflag:s9] =	ssyncadd.s32 $0xFFFFFC00  }
0x45: {  	[tilespmem:s13], [sflag:$0x5] =	stream.linear.gather [hbm4b:s7+s3], $0x400, $0x38;
	[tilespmem:$0x1DC80] =	vst v63  }
0x46: {  	_ =	swait.ge [sflag:s9], $0x400  }
0x47: {  	[sflag:s9] =	ssyncset.done $0x0  }
0x48: {  	[sflag:s9] =	ssyncadd.s32 $0xFFFFFC00  }
0x49: {  	[tilespmem:s15], [sflag:$0x1] =	stream.indirect.gather [hbm4b:s0+s14], $0x80, s10, s14, $0xb8;
	[tilespmem:$0x1DC80] =	vst v63  }
0x4a: {  	_ = 	snop  }
0x4b: {  	[tilespmem:s17], [sflag:$0x2] =	stream.indirect.gather [hbm4b:s0+s14], $0x80, s16, s14, $0xb8;
	[tilespmem:$0x1DC80] =	vst v63  }
0x4c: {  	_ = 	snop  }
0x4d: {  	[tilespmem:s19], [sflag:$0x3] =	stream.indirect.gather [hbm4b:s0+s14], $0x80, s18, s14, $0xb8;
	[tilespmem:$0x1DC80] =	vst v63  }
0x4e: {  	_ = 	snop  }
0x4f: {  	[tilespmem:s21], [sflag:$0x4] =	stream.indirect.gather [hbm4b:s0+s14], $0x80, s20, s14, $0xb8;
	[tilespmem:$0x1DC80] =	vst v63  }
0x50: {  	_ =	swait.ge [sflag:s22], $0x2000  }
0x51: {  	[sflag:s22] =	ssyncset.done $0x0  }
0x52: {  	[sflag:s22] =	ssyncadd.s32 $0xFFFFE000  }
0x53: {  	[tilespmem:s15], [sflag:$0x1] =	stream.indirect.gather [hbm4b:s0+s14], $0x80, s23, s14, $0xb8;
	[tilespmem:$0x1DC80] =	vst v63  }
0x54: {  	_ =	swait.ge [sflag:s25], $0x2000  }
0x55: {  	[sflag:s25] =	ssyncset.done $0x0  }
0x56: {  	[sflag:s25] =	ssyncadd.s32 $0xFFFFE000  }
0x57: {  	[tilespmem:s17], [sflag:$0x2] =	stream.indirect.gather [hbm4b:s0+s14], $0x80, s26, s14, $0xb8;
	[tilespmem:$0x1DC80] =	vst v63  }
0x58: {  	_ =	swait.ge [sflag:s28], $0x2000  }
0x59: {  	[sflag:s28] =	ssyncset.done $0x0  }
0x5a: {  	[sflag:s28] =	ssyncadd.s32 $0xFFFFE000  }
0x5b: {  	[tilespmem:s19], [sflag:$0x3] =	stream.indirect.gather [hbm4b:s0+s14], $0x80, s29, s14, $0xb8;
	[tilespmem:$0x1DC80] =	vst v63  }
0x5c: {  	_ =	swait.ge [sflag:s30], $0x2000  }
0x5d: {  	[sflag:s30] =	ssyncset.done $0x0  }
0x5e: {  	[sflag:s30] =	ssyncadd.s32 $0xFFFFE000  }
0x5f: {  	[tilespmem:s21], [sflag:$0x4] =	stream.indirect.gather [hbm4b:s0+s14], $0x80, s31, s14, $0xb8;
	[tilespmem:$0x1DC80] =	vst v63  }
0x60: {  	_ =	swait.ge [sflag:s22], $0x2000  }
0x61: {  	[sflag:s22] =	ssyncset.done $0x0  }
0x62: {  	[sflag:s22] =	ssyncadd.s32 $0xFFFFE000  }
0x63: {  	_ =	swait.ge [sflag:s25], $0x2000  }
0x64: {  	[sflag:s25] =	ssyncset.done $0x0  }
0x65: {  	[sflag:s25] =	ssyncadd.s32 $0xFFFFE000  }
0x66: {  	_ =	swait.ge [sflag:s28], $0x2000  }
0x67: {  	[sflag:s28] =	ssyncset.done $0x0  }
0x68: {  	[sflag:s28] =	ssyncadd.s32 $0xFFFFE000  }
0x69: {  	s1 =	simm.s32 $0x80;
	_ =	swait.ge [sflag:s30], $0x2000  }
0x6a: {  	s6 =	simm.s32 $0x100;
	s2 =	rddreg [dreg:$0x5];
	[sflag:s30] =	ssyncset.done $0x0  }
.LBB2_8:
0x6b: {  	[sflag:s30] =	ssyncadd.s32 $0xFFFFE000;
	s2 =	sadd.s32 s1, s2  }
0x6c: {  	[tilespmem:s10], [sflag:$0x5] =	stream.linear.gather [hbm4b:s2+s3], $0x400, $0x38;
	[tilespmem:$0x1DC80] =	vst v63  }
0x6d: {  	_ =	swait.ge [sflag:s9], $0x400  }
0x6e: {  	s2 =	rddreg [dreg:$0x6];
	[sflag:s9] =	ssyncset.done $0x0  }
0x6f: {  	[sflag:s9] =	ssyncadd.s32 $0xFFFFFC00;
	s2 =	sadd.s32 s1, s2  }
0x70: {  	[tilespmem:s11], [sflag:$0x5] =	stream.linear.gather [hbm4b:s2+s3], $0x400, $0x38;
	[tilespmem:$0x1DC80] =	vst v63  }
0x71: {  	_ =	swait.ge [sflag:s9], $0x400  }
0x72: {  	[sflag:s9] =	ssyncset.done $0x0  }
0x73: {  	s2 =	sadd.s32 s1, s4;
	[sflag:s9] =	ssyncadd.s32 $0xFFFFFC00  }
0x74: {  	[tilespmem:s12], [sflag:$0x5] =	stream.linear.gather [hbm4b:s2+s3], $0x400, $0x38;
	[tilespmem:$0x1DC80] =	vst v63  }
0x75: {  	_ =	swait.ge [sflag:s9], $0x400  }
0x76: {  	[sflag:s9] =	ssyncset.done $0x0  }
0x77: {  	s2 =	sadd.s32 s1, s5;
	[sflag:s9] =	ssyncadd.s32 $0xFFFFFC00  }
0x78: {  	[tilespmem:s13], [sflag:$0x5] =	stream.linear.gather [hbm4b:s2+s3], $0x400, $0x38;
	[tilespmem:$0x1DC80] =	vst v63  }
0x79: {  	_ =	swait.ge [sflag:s9], $0x400  }
0x7a: {  	[sflag:s9] =	ssyncset.done $0x0  }
0x7b: {  	[sflag:s9] =	ssyncadd.s32 $0xFFFFFC00  }
0x7c: {  	[tilespmem:s15], [sflag:$0x1] =	stream.indirect.gather [hbm4b:s0+s14], $0x80, s10, s14, $0xb8;
	[tilespmem:$0x1DC80] =	vst v63  }
0x7d: {  	_ = 	snop  }
0x7e: {  	[tilespmem:s17], [sflag:$0x2] =	stream.indirect.gather [hbm4b:s0+s14], $0x80, s16, s14, $0xb8;
	[tilespmem:$0x1DC80] =	vst v63  }
0x7f: {  	_ = 	snop  }
0x80: {  	[tilespmem:s19], [sflag:$0x3] =	stream.indirect.gather [hbm4b:s0+s14], $0x80, s18, s14, $0xb8;
	[tilespmem:$0x1DC80] =	vst v63  }
0x81: {  	_ = 	snop  }
0x82: {  	[tilespmem:s21], [sflag:$0x4] =	stream.indirect.gather [hbm4b:s0+s14], $0x80, s20, s14, $0xb8;
	[tilespmem:$0x1DC80] =	vst v63  }
0x83: {  	_ =	swait.ge [sflag:s22], $0x2000  }
0x84: {  	[sflag:s22] =	ssyncset.done $0x0  }
0x85: {  	[sflag:s22] =	ssyncadd.s32 $0xFFFFE000  }
0x86: {  	[tilespmem:s15], [sflag:$0x1] =	stream.indirect.gather [hbm4b:s0+s14], $0x80, s23, s14, $0xb8;
	[tilespmem:$0x1DC80] =	vst v63  }
0x87: {  	_ =	swait.ge [sflag:s25], $0x2000  }
0x88: {  	[sflag:s25] =	ssyncset.done $0x0  }
0x89: {  	[sflag:s25] =	ssyncadd.s32 $0xFFFFE000  }
0x8a: {  	[tilespmem:s17], [sflag:$0x2] =	stream.indirect.gather [hbm4b:s0+s14], $0x80, s26, s14, $0xb8;
	[tilespmem:$0x1DC80] =	vst v63  }
0x8b: {  	_ =	swait.ge [sflag:s28], $0x2000  }
0x8c: {  	[sflag:s28] =	ssyncset.done $0x0  }
0x8d: {  	[sflag:s28] =	ssyncadd.s32 $0xFFFFE000  }
0x8e: {  	[tilespmem:s19], [sflag:$0x3] =	stream.indirect.gather [hbm4b:s0+s14], $0x80, s29, s14, $0xb8;
	[tilespmem:$0x1DC80] =	vst v63  }
0x8f: {  	_ =	swait.ge [sflag:s30], $0x2000  }
0x90: {  	[sflag:s30] =	ssyncset.done $0x0  }
0x91: {  	[sflag:s30] =	ssyncadd.s32 $0xFFFFE000  }
0x92: {  	[tilespmem:s21], [sflag:$0x4] =	stream.indirect.gather [hbm4b:s0+s14], $0x80, s31, s14, $0xb8;
	[tilespmem:$0x1DC80] =	vst v63  }
0x93: {  	_ =	swait.ge [sflag:s22], $0x2000  }
0x94: {  	[sflag:s22] =	ssyncset.done $0x0  }
0x95: {  	[sflag:s22] =	ssyncadd.s32 $0xFFFFE000  }
0x96: {  	_ =	swait.ge [sflag:s25], $0x2000  }
0x97: {  	[sflag:s25] =	ssyncset.done $0x0  }
0x98: {  	p1 =	sne.s32 s6, $0x980;
	[sflag:s25] =	ssyncadd.s32 $0xFFFFE000  }
.Ltmp5:
0x99: {  	_ =	swait.ge [sflag:s28], $0x2000;
	(pc) =	sbr.rel @p1 .LBB2_8-.Ltmp5, $4  }
0x9a: {  	[sflag:s28] =	ssyncset.done $0x0  }
0x9b: {  	[sflag:s28] =	ssyncadd.s32 $0xFFFFE000  }
0x9c: {  	s7 =	smov.u32 s6;
	s6 =	sadd.s32 $0x80, s6;
	_ =	swait.ge [sflag:s30], $0x2000  }
0x9d: {  	s1 =	smov.u32 s7;
	s2 =	rddreg [dreg:$0x5];
	[sflag:s30] =	ssyncset.done $0x0  }
0x9e: {  	[sflag:s30] =	ssyncadd.s32 $0xFFFFE000;
	s2 =	sadd.s32 s1, s2  }
0x9f: {  	[tilespmem:s10], [sflag:$0x5] =	stream.linear.gather [hbm4b:s2+s3], $0x400, $0x38;
	[tilespmem:$0x1DC80] =	vst v63  }
0xa0: {  	_ =	swait.ge [sflag:s9], $0x400  }
0xa1: {  	s7 =	rddreg [dreg:$0x6];
	[sflag:s9] =	ssyncset.done $0x0  }
0xa2: {  	[sflag:s9] =	ssyncadd.s32 $0xFFFFFC00;
	s2 =	sadd.s32 s1, s7  }
0xa3: {  	[tilespmem:s11], [sflag:$0x5] =	stream.linear.gather [hbm4b:s2+s3], $0x400, $0x38;
	[tilespmem:$0x1DC80] =	vst v63  }
0xa4: {  	_ =	swait.ge [sflag:s9], $0x400  }
0xa5: {  	[sflag:s9] =	ssyncset.done $0x0  }
0xa6: {  	s6 =	sadd.s32 s1, s4;
	[sflag:s9] =	ssyncadd.s32 $0xFFFFFC00  }
0xa7: {  	[tilespmem:s12], [sflag:$0x5] =	stream.linear.gather [hbm4b:s6+s3], $0x400, $0x38;
	[tilespmem:$0x1DC80] =	vst v63  }
0xa8: {  	_ =	swait.ge [sflag:s9], $0x400  }
0xa9: {  	[sflag:s9] =	ssyncset.done $0x0  }
0xaa: {  	s7 =	sadd.s32 s1, s5;
	[sflag:s9] =	ssyncadd.s32 $0xFFFFFC00  }
0xab: {  	[tilespmem:s13], [sflag:$0x5] =	stream.linear.gather [hbm4b:s7+s3], $0x400, $0x38;
	[tilespmem:$0x1DC80] =	vst v63  }
0xac: {  	_ =	swait.ge [sflag:s9], $0x400  }
0xad: {  	[sflag:s9] =	ssyncset.done $0x0  }
0xae: {  	[sflag:s9] =	ssyncadd.s32 $0xFFFFFC00  }
0xaf: {  	[tilespmem:s15], [sflag:$0x1] =	stream.indirect.gather [hbm4b:s0+s14], $0x80, s10, s14, $0xb8;
	[tilespmem:$0x1DC80] =	vst v63  }
0xb0: {  	_ = 	snop  }
0xb1: {  	[tilespmem:s17], [sflag:$0x2] =	stream.indirect.gather [hbm4b:s0+s14], $0x80, s16, s14, $0xb8;
	[tilespmem:$0x1DC80] =	vst v63  }
0xb2: {  	_ = 	snop  }
0xb3: {  	[tilespmem:s19], [sflag:$0x3] =	stream.indirect.gather [hbm4b:s0+s14], $0x80, s18, s14, $0xb8;
	[tilespmem:$0x1DC80] =	vst v63  }
0xb4: {  	_ = 	snop  }
0xb5: {  	[tilespmem:s21], [sflag:$0x4] =	stream.indirect.gather [hbm4b:s0+s14], $0x80, s20, s14, $0xb8;
	[tilespmem:$0x1DC80] =	vst v63  }
0xb6: {  	_ =	swait.ge [sflag:s22], $0x2000  }
0xb7: {  	[sflag:s22] =	ssyncset.done $0x0  }
0xb8: {  	[sflag:s22] =	ssyncadd.s32 $0xFFFFE000  }
0xb9: {  	[tilespmem:s15], [sflag:$0x1] =	stream.indirect.gather [hbm4b:s0+s14], $0x80, s23, s14, $0xb8;
	[tilespmem:$0x1DC80] =	vst v63  }
0xba: {  	_ =	swait.ge [sflag:s25], $0x2000  }
0xbb: {  	[sflag:s25] =	ssyncset.done $0x0  }
0xbc: {  	[sflag:s25] =	ssyncadd.s32 $0xFFFFE000  }
0xbd: {  	[tilespmem:s17], [sflag:$0x2] =	stream.indirect.gather [hbm4b:s0+s14], $0x80, s26, s14, $0xb8;
	[tilespmem:$0x1DC80] =	vst v63  }
0xbe: {  	_ =	swait.ge [sflag:s28], $0x2000  }
0xbf: {  	[sflag:s28] =	ssyncset.done $0x0  }
0xc0: {  	[sflag:s28] =	ssyncadd.s32 $0xFFFFE000  }
0xc1: {  	[tilespmem:s19], [sflag:$0x3] =	stream.indirect.gather [hbm4b:s0+s14], $0x80, s29, s14, $0xb8;
	[tilespmem:$0x1DC80] =	vst v63  }
0xc2: {  	_ =	swait.ge [sflag:s30], $0x2000  }
0xc3: {  	[sflag:s30] =	ssyncset.done $0x0  }
0xc4: {  	[sflag:s30] =	ssyncadd.s32 $0xFFFFE000  }
0xc5: {  	[tilespmem:s21], [sflag:$0x4] =	stream.indirect.gather [hbm4b:s0+s14], $0x80, s31, s14, $0xb8;
	[tilespmem:$0x1DC80] =	vst v63  }
0xc6: {  	_ =	swait.ge [sflag:s22], $0x2000  }
0xc7: {  	[sflag:s22] =	ssyncset.done $0x0  }
0xc8: {  	[sflag:s22] =	ssyncadd.s32 $0xFFFFE000  }
0xc9: {  	_ =	swait.ge [sflag:s25], $0x2000  }
0xca: {  	[sflag:s25] =	ssyncset.done $0x0  }
0xcb: {  	[sflag:s25] =	ssyncadd.s32 $0xFFFFE000  }
0xcc: {  	_ =	swait.ge [sflag:s28], $0x2000  }
0xcd: {  	[sflag:s28] =	ssyncset.done $0x0  }
0xce: {  	[sflag:s28] =	ssyncadd.s32 $0xFFFFE000  }
0xcf: {  	_ =	swait.ge [sflag:s30], $0x2000  }
.Ltmp6:
0xd0: {  	[sflag:s30] =	ssyncset.done $0x0;
	(pc) =	sbr.rel @p0 .LBB2_13-.Ltmp6, $4  }
0xd1: {  	[sflag:s30] =	ssyncadd.s32 $0xFFFFE000  }
0xd2: {  	[bflag:$0x0] =	sbarrier.arrive $0xFFFF  }
0xd3: {  	s7 =	rddreg [dreg:$0x8]  }
0xd4: {  	s2 =	rddreg [dreg:$0x9]  }
0xd5: {  	[tilespmem:s8], [sflag:$0x5] =	stream.linear.gather [spmem:s7], $0x1400, $0x38;
	[tilespmem:$0x1DC80] =	vst v63  }
0xd6: {  	_ =	swait.ge [sflag:s9], $0x1400  }
0xd7: {  	[sflag:s9] =	ssyncset.done $0x0  }
0xd8: {  	s1 =	sadd.s32 $0x0, s24;
	[sflag:s9] =	ssyncadd.s32 $0xFFFFEC00  }
0xd9: {  	[hbm4b:s1+s3] =	stream.linear.scatter [tilespmem:s8], [sflag:$0x5], $0x1400, $0x38;
	[tilespmem:$0x1DC80] =	vst v63  }
0xda: {  	_ =	swait.ge [sflag:s9], $0x1400  }
0xdb: {  	s6 =	smov.u32 s7;
	s1 =	simm.s32 $0x280;
	[sflag:s9] =	ssyncset.done $0x0  }
.LBB2_11:
0xdc: {  	p1 =	sne.s32 s1, $0x3C00;
	[sflag:s9] =	ssyncadd.s32 $0xFFFFEC00;
	s6 =	sadd.s32 $0x1400, s6  }
0xdd: {  	[tilespmem:s8], [sflag:$0x5] =	stream.linear.gather [spmem:s6], $0x1400, $0x38;
	[tilespmem:$0x1DC80] =	vst v63  }
0xde: {  	s2 =	smov.u32 s1;
	s1 =	sadd.s32 $0x280, s1;
	_ =	swait.ge [sflag:s9], $0x1400  }
.Ltmp7:
0xdf: {  	[sflag:s9] =	ssyncset.done $0x0;
	(pc) =	sbr.rel @p1 .LBB2_11-.Ltmp7, $4  }
0xe0: {  	s2 =	sadd.s32 s2, s24;
	[sflag:s9] =	ssyncadd.s32 $0xFFFFEC00  }
0xe1: {  	[hbm4b:s2+s3] =	stream.linear.scatter [tilespmem:s8], [sflag:$0x5], $0x1400, $0x38;
	[tilespmem:$0x1DC80] =	vst v63  }
0xe2: {  	_ =	swait.ge [sflag:s9], $0x1400  }
0xe3: {  	[sflag:s9] =	ssyncset.done $0x0  }
.Ltmp8:
0xe4: {  	_ = 	snop;
	(pc) =	sbr.rel .LBB2_12-.Ltmp8, $1  }
0xe5: {  	_ =	sdelay $0x3  }
.LBB2_14:
0xe6: {  	_ =	sfence.sel $0x180000  }
0xe7: {  	[bflag:$0x0] =	sbarrier.arrive $0xFFFF  }
0xe8: {  	_ =	strace $0x90000047  }
0xe9: {  	s0 =	stileid.u32;
	[bflag:$0x2] =	sbarrier.arrive $0xFFFF  }
0xea: {  	p0 =	sne.s32 s0, $0x0;
	s0 =	rddreg [dreg:$0x4]  }
0xeb: {  	s0 =	sadd.s32 @!p0 $0x100000, s0  }
0xec: {  	[sflag:s0] =	ssyncadd.tile.s32 @!p0 $0x1;
	_ =	shalt  }
.Lfunc_end2:
_tile_overlayer_lowered:
.L_overlay_start_2:
0xed: {  	(tag) =	ssettag $0x2  }
0xee: {  	s0 =	rddreg [dreg:$0x0];
	s2 =	stileid.u32  }
0xef: {  	s1 =	rddreg [dreg:$0x1];
	p0 =	sne.s32 s2, $0x0  }
0xf0: {  	s3 =	rddreg [dreg:$0x2];
	[bflag:$0x3] =	sbarrier.arrive $0xFFFF;
	s2 =	simm.s32 @!p0 $0x1C05  }
0xf1: {  	[timem:s3], [sflag:s2] =	dma.local @!p0 [hbm:s0], s1  }
0xf2: {  	s0 =	simm.s32 @!p0 $0x5  }
0xf3: {  	_ =	swait.ge @!p0 [sflag:s0], s1  }
0xf4: {  	s1 =	ssub.s32 @!p0 $0x0, s1;
	[sflag:s0] =	ssyncset.done @!p0 $0x0  }
0xf5: {  	[sflag:s0] =	ssyncadd.s32 @!p0 s1  }
0xf6: {  	[bflag:$0x3] =	sbarrier.arrive $0xFFFF  }
0xf7: {  	_ =	shalt  }

</sc_bundles>
